<compile_context>
chip_gen: v7x
topology: tpu7x:2x2x1
jax: 0.10.2.dev20260603
libtpu: 0.0.44.dev20260713+nightly
codegen_flags: <defaults>
</compile_context>

<pallas_src>
import functools

import numpy as np
import jax
import jax.numpy as jnp
from jax import lax
from jax.experimental import pallas as pl
from jax.experimental.pallas import tpu as pltpu
from jax.experimental.pallas import tpu_sc as plsc

_B, _P, _S, _GRID = 32, 20, 150, 32
_N = _P * _S
_NPAD = 3008
_CPW = _GRID * _GRID * _GRID * 3

_U32 = np.uint32


def _rotl(x, d):
    return ((x << _U32(d)) | (x >> _U32(32 - d))).astype(np.uint32)


def _threefry2x32(k1, k2, x0, x1):
    ks0, ks1 = _U32(k1), _U32(k2)
    ks2 = _U32(ks0 ^ ks1 ^ _U32(0x1BD11BDA))
    x0 = (x0 + ks0).astype(np.uint32)
    x1 = (x1 + ks1).astype(np.uint32)

    def rounds(x0, x1, rots):
        for r in rots:
            x0 = (x0 + x1).astype(np.uint32)
            x1 = x0 ^ _rotl(x1, r)
        return x0, x1

    for i, (rots, kA, kB) in enumerate([
        ((13, 15, 26, 6), ks1, ks2), ((17, 29, 16, 24), ks2, ks0),
        ((13, 15, 26, 6), ks0, ks1), ((17, 29, 16, 24), ks1, ks2),
        ((13, 15, 26, 6), ks2, ks0),
    ]):
        x0, x1 = rounds(x0, x1, rots)
        x0 = (x0 + kA).astype(np.uint32)
        x1 = (x1 + kB + _U32(i + 1)).astype(np.uint32)
    return x0, x1


def _np_counts(n):
    i = np.arange(n, dtype=np.uint64)
    return ((i >> np.uint64(32)).astype(np.uint32),
            (i & np.uint64(0xFFFFFFFF)).astype(np.uint32))


def _np_split(key, n=2):
    b1, b2 = _threefry2x32(key[0], key[1], *_np_counts(n))
    return np.stack([b1, b2], axis=1)


def _np_bits32(key, shape):
    b1, b2 = _threefry2x32(key[0], key[1], *_np_counts(int(np.prod(shape))))
    return (b1 ^ b2).reshape(shape)


def _np_uniform(key, shape, lo, hi):
    fb = (_np_bits32(key, shape) >> _U32(9)) | _U32(0x3F800000)
    f = fb.view(np.float32) - np.float32(1.0)
    lo, hi = np.float32(lo), np.float32(hi)
    return np.maximum(lo, (f * (hi - lo) + lo).astype(np.float32))


def _np_randint(key, shape, lo, hi):
    k1, k2 = _np_split(key, 2)
    hb, lb = _np_bits32(k1, shape), _np_bits32(k2, shape)
    span = _U32(hi - lo)
    mult = _U32((int(2**16 % int(span)) ** 2) % int(span))
    off = (((hb % span) * mult + (lb % span)) % span).astype(np.uint32)
    return (lo + off.astype(np.int64)).astype(np.int32)


def _unit_planar_np():
    key = np.array([0, 42], np.uint32)
    kf, ku = _np_split(key, 2)
    face = _np_randint(kf, (_B, _P, _S), 0, 6)
    uv3 = _np_uniform(ku, (_B, _P, _S, 3), -1.0, 1.0)
    axis = face // 2
    sign = np.where(face % 2 == 0, np.float32(1.0), np.float32(-1.0))
    onehot = np.eye(3, dtype=np.float32)[axis]
    u = onehot * sign[..., None] + (np.float32(1.0) - onehot) * uv3
    u = u.reshape(_B, _N, 3).transpose(0, 2, 1)
    up = np.zeros((_B, 3, _NPAD), np.float32)
    up[:, :, :_N] = u
    return np.ascontiguousarray(up.reshape(_B, 3 * _NPAD))


_UNIT = _unit_planar_np()


def _rsqrt_nr(x):
    i = plsc.bitcast(x, jnp.int32)
    one = jnp.full((16,), 1, jnp.int32)
    i = 0x5F3759DF - lax.shift_right_logical(i, one)
    y = plsc.bitcast(i, jnp.float32)
    for _ in range(3):
        y = y * (1.5 - 0.5 * x * y * y)
    return y


def _cov_body(unit_hbm, cp_hbm, par_hbm, pts_hbm, wgt_hbm, cpl_hbm,
              cp_v, unit_v, par_v, par2_v, pts_v, wgt_v, cpl_v, sem, sem2):
    b = lax.axis_index("s") * 2 + lax.axis_index("c")
    cp_dma = pltpu.async_copy(cp_hbm.at[b], cp_v, sem)
    pltpu.sync_copy(unit_hbm.at[b], unit_v)
    pltpu.sync_copy(par_hbm.at[b], par_v)

    lane = lax.iota(jnp.int32, 16)

    for j in range(2):
        pc = jnp.minimum(j * 16 + lane, _P - 1)
        pb = pc * 16

        def par(c):
            return plsc.load_gather(par_v, [pb + c])

        sx, sy, sz = par(0), par(1), par(2)
        tx, ty, tz = par(3), par(4), par(5)
        qw, qx, qy, qz = par(6), par(7), par(8), par(9)
        iou = par(10)

        n2 = qw * qw + qx * qx + qy * qy + qz * qz
        y = _rsqrt_nr(n2)
        nr = n2 * y
        n = jnp.where(n2 > 1e-35,
                      0.5 * (nr + n2 / jnp.where(nr > 0.0, nr, 1.0)),
                      0.0)
        inv = 1.0 / (n + 1e-8)
        rw, rx, ry, rz = qw * inv, qx * inv, qy * inv, qz * inv
        xx, yy, zz = rx * rx, ry * ry, rz * rz
        xy, xz, yz = rx * ry, rx * rz, ry * rz
        wx, wy, wz = rw * rx, rw * ry, rw * rz
        vals = [
            (1.0 - 2.0 * (yy + zz)) * sx, (2.0 * (xy - wz)) * sy, (2.0 * (xz + wy)) * sz,
            (2.0 * (xy + wz)) * sx, (1.0 - 2.0 * (xx + zz)) * sy, (2.0 * (yz - wx)) * sz,
            (2.0 * (xz - wy)) * sx, (2.0 * (yz + wx)) * sy, (1.0 - 2.0 * (xx + yy)) * sz,
            tx, ty, tz,
            (8.0 * (sx * sy + sy * sz + sx * sz) * (1.0 / _S)) * iou,
            iou,
        ]
        for c, v in enumerate(vals):
            plsc.store_scatter(par2_v, [pb + c], v)

    def step1(i, carry):
        for h in range(2):
            off = i * 32 + h * 16
            pt = off + lane
            p = jnp.minimum(
                (pt.astype(jnp.float32) * (1.0 / _S)).astype(jnp.int32), _P - 1)
            pb = p * 16

            def g(c):
                return plsc.load_gather(par2_v, [pb + c])

            ux = unit_v[pl.ds(off, 16)]
            uy = unit_v[pl.ds(_NPAD + off, 16)]
            uz = unit_v[pl.ds(2 * _NPAD + off, 16)]

            px = (g(0) * ux + g(1) * uy) + (g(2) * uz + g(9))
            py = (g(3) * ux + g(4) * uy) + (g(5) * uz + g(10))
            pz = (g(6) * ux + g(7) * uy) + (g(8) * uz + g(11))

            def vox(v):
                return jnp.clip(((v + 0.5) * 32.0).astype(jnp.int32), 0, 31)

            base = vox(px) * 3072 + vox(py) * 32 + vox(pz)
            i3 = pt * 3
            plsc.store_scatter(pts_v, [i3], px)
            plsc.store_scatter(pts_v, [i3 + 1], py)
            plsc.store_scatter(pts_v, [i3 + 2], pz)
            wgt_v[pl.ds(off, 16)] = g(12)
            plsc.store_scatter(unit_v, [pt], plsc.bitcast(base, jnp.float32))
        return carry

    lax.fori_loop(0, _NPAD // 32, step1, 0)

    cp_dma.wait()
    pts_dma = pltpu.async_copy(pts_v, pts_hbm.at[b], sem2)
    wgt_dma = pltpu.async_copy(wgt_v, wgt_hbm.at[b], sem2)

    def step2(i, carry):
        for h in range(2):
            off = i * 32 + h * 16
            pt = off + lane
            p = jnp.minimum(
                (pt.astype(jnp.float32) * (1.0 / _S)).astype(jnp.int32), _P - 1)
            iou = plsc.load_gather(par2_v, [p * 16 + 13])
            base = plsc.bitcast(unit_v[pl.ds(off, 16)], jnp.int32)
            r = lax.shift_right_logical(base, jnp.full((16,), 7, jnp.int32))
            col = base & 127
            gx = plsc.load_gather(cp_v, [r, col])
            gy = plsc.load_gather(cp_v, [r + 8, col])
            gz = plsc.load_gather(cp_v, [r + 16, col])
            i3 = pt * 3
            px = plsc.load_gather(pts_v, [i3])
            py = plsc.load_gather(pts_v, [i3 + 1])
            pz = plsc.load_gather(pts_v, [i3 + 2])
            m = iou > 0.5
            plsc.store_scatter(cpl_v, [i3], jnp.where(m, gx, px))
            plsc.store_scatter(cpl_v, [i3 + 1], jnp.where(m, gy, py))
            plsc.store_scatter(cpl_v, [i3 + 2], jnp.where(m, gz, pz))
        return carry

    lax.fori_loop(0, _NPAD // 32, step2, 0)

    pltpu.sync_copy(cpl_v, cpl_hbm.at[b])
    pts_dma.wait()
    wgt_dma.wait()


@functools.cache
def _get_cov_kernel():
    mesh = plsc.VectorSubcoreMesh(core_axis_name="c", subcore_axis_name="s")
    return pl.kernel(
        _cov_body,
        mesh=mesh,
        compiler_params=pltpu.CompilerParams(needs_layout_passes=False),
        out_type=[
            jax.ShapeDtypeStruct((_B, 3 * _NPAD), jnp.float32),
            jax.ShapeDtypeStruct((_B, _NPAD), jnp.float32),
            jax.ShapeDtypeStruct((_B, 3 * _NPAD), jnp.float32),
        ],
        scratch_types=[
            pltpu.VMEM((768, 128), jnp.float32),
            pltpu.VMEM((3 * _NPAD,), jnp.float32),
            pltpu.VMEM((_P * 16,), jnp.float32),
            pltpu.VMEM((_P * 16,), jnp.float32),
            pltpu.VMEM((3 * _NPAD,), jnp.float32),
            pltpu.VMEM((_NPAD,), jnp.float32),
            pltpu.VMEM((3 * _NPAD,), jnp.float32),
            pltpu.SemaphoreType.DMA,
            pltpu.SemaphoreType.DMA,
        ],
    )


def kernel(shape_rlt, trans_rlt, quat_rlt, CP, IOUlist):
    iou = (IOUlist == 1).astype(jnp.float32)
    pad = jnp.zeros((_B, _P, 5), jnp.float32)
    par = jnp.concatenate(
        [shape_rlt, trans_rlt, quat_rlt, iou[..., None], pad], axis=-1
    ).reshape(_B, _P * 16)
    cp = jnp.transpose(CP, (0, 1, 4, 2, 3)).reshape(_B, 768, 128)
    pts, wgt, cpl = _get_cov_kernel()(jnp.asarray(_UNIT), cp, par)
    pointList = pts[:, : 3 * _N].reshape(_B, _P, _S, 3)
    weight = wgt[:, :_N].reshape(_B, _P, _S)
    CPlist = cpl[:, : 3 * _N].reshape(_B, _P, _S, 3)
    return pointList, weight, CPlist

# --- scband reference (transcript-rebuilt; emitter-appended) ---
"""Pipeline reference for scband-coverage-loss-32401233281614 (READ-ONLY COPY).

The authoritative reference and input builder live on the scoring server;
editing this copy changes nothing except your own understanding.
"""

import jax, jax.numpy as jnp
import numpy as np

B, P, S, GRID = 32, 20, 150, 32

def quat_rotate(q, v):
    # q: [..., 4] (w, x, y, z) assumed normalized; v: [..., 3]
    w = q[..., 0:1]
    qv = q[..., 1:4]
    t = 2.0 * jnp.cross(qv, v)
    return v + w * t + jnp.cross(qv, t)

def setup_inputs(seed: int = 0) -> dict:
    key = jax.random.key(seed)
    k1, k2, k3, k4, k5 = jax.random.split(key, 5)
    shape_rlt = jax.random.uniform(k1, (B, P, 3), dtype=jnp.float32)
    trans_rlt = jax.random.normal(k2, (B, P, 3), dtype=jnp.float32)
    quat_rlt = jax.random.normal(k3, (B, P, 4), dtype=jnp.float32)
    CP = jax.random.normal(k4, (B, GRID, GRID, GRID, 3), dtype=jnp.float32)
    IOUlist = jax.random.randint(k5, (B, P), 0, 2, dtype=jnp.int64)
    return {"shape_rlt": shape_rlt, "trans_rlt": trans_rlt, "quat_rlt": quat_rlt, "CP": CP, "IOUlist": IOUlist}

def _sample_points(shape_rlt, trans_rlt, quat_rlt):
    # SamplePoint: sample S points on each cuboid primitive surface, then rigid-transform.
    skey = jax.random.key(42)
    kf, ku = jax.random.split(skey)
    face = jax.random.randint(kf, (B, P, S), 0, 6)
    uv3 = jax.random.uniform(ku, (B, P, S, 3), minval=-1.0, maxval=1.0)
    axis = face // 2
    sign = jnp.where(face % 2 == 0, 1.0, -1.0)
    onehot = jax.nn.one_hot(axis, 3, dtype=jnp.float32)
    unit = onehot * sign[..., None] + (1.0 - onehot) * uv3  # on unit cube surface
    local = unit * shape_rlt[:, :, None, :]  # scale by half-extents
    qn = quat_rlt / (jnp.linalg.norm(quat_rlt, axis=-1, keepdims=True) + 1e-8)
    pts = quat_rotate(qn[:, :, None, :], local) + trans_rlt[:, :, None, :]
    return pts  # [B, P, S, 3]

def _sample_weight(shape_rlt, iou):
    # SamplePointWeight: per-sample surface-area importance weight, gated by IOU flag.
    s0, s1, s2 = shape_rlt[..., 0], shape_rlt[..., 1], shape_rlt[..., 2]
    area = 8.0 * (s0 * s1 + s1 * s2 + s0 * s2)  # full dims = 2*half-extents
    w = (area / float(S))[:, :, None] * iou[:, :, None]
    return jnp.broadcast_to(w, (B, P, S))

def reference(shape_rlt, trans_rlt, quat_rlt, CP, IOUlist):
    point = _sample_points(shape_rlt, trans_rlt, quat_rlt)  # [B, P, S, 3]
    iou = (IOUlist == 1).astype(jnp.float32)  # [B, P]
    weight = _sample_weight(shape_rlt, iou)  # [B, P, S]
    pointList = point.reshape(B, P * S, 3)
    pointindex = jnp.clip(((pointList + 0.5) * 32.0).astype(jnp.int32), 0, 31)
    bidx = jnp.arange(B)[:, None]
    cp_g = CP[bidx, pointindex[..., 0], pointindex[..., 1], pointindex[..., 2]]  # [B, P*S, 3]
    mask = jnp.repeat(iou, S, axis=1)[..., None]  # [B, P*S, 1]
    CPlist = jnp.where(mask > 0.5, cp_g, pointList)
    CPlist = jax.lax.stop_gradient(CPlist)  # built from detached python lists in torch
    return (pointList.reshape(B, P, S, 3), weight, CPlist.reshape(B, P, S, 3))

if __name__ == "__main__":
    import jax
    _d = setup_inputs()
    print(jax.jit(kernel)(*tuple(_d.values())))

</pallas_src>

<mosaic_0001>
#map = affine_map<(d0, d1) -> (0, 0)>
#map1 = affine_map<(d0, d1) -> (0, 0, 0)>
module attributes {stable_mosaic.version = 14 : i64} {
  func.func @_cov_body(%arg0: i32, %arg1: i32, %arg2: memref<32x9024xf32, #tpu.memory_space<hbm>>, %arg3: memref<32x768x128xf32, #tpu.memory_space<hbm>>, %arg4: memref<32x320xf32, #tpu.memory_space<hbm>>, %arg5: memref<32x9024xf32, #tpu.memory_space<hbm>>, %arg6: memref<32x3008xf32, #tpu.memory_space<hbm>>, %arg7: memref<32x9024xf32, #tpu.memory_space<hbm>>, %arg8: memref<768x128xf32, #tpu.memory_space<vmem>>, %arg9: memref<9024xf32, #tpu.memory_space<vmem>>, %arg10: memref<320xf32, #tpu.memory_space<vmem>>, %arg11: memref<320xf32, #tpu.memory_space<vmem>>, %arg12: memref<9024xf32, #tpu.memory_space<vmem>>, %arg13: memref<3008xf32, #tpu.memory_space<vmem>>, %arg14: memref<9024xf32, #tpu.memory_space<vmem>>, %arg15: memref<!tpu.dma_semaphore, #tpu.memory_space<semaphore_mem>>, %arg16: memref<!tpu.dma_semaphore, #tpu.memory_space<semaphore_mem>>) attributes {dimension_semantics = [#tpu.dimension_semantics<core_parallel>, #tpu.dimension_semantics<subcore_parallel>], iteration_bounds = array<i64: 2, 16>, scalar_prefetch = 0 : i64, scratch_operands = 9 : i64, tpu.core_type = #tpu.core_type<sc_vector_subcore>, window_params = [{transform_indices = #map}, {transform_indices = #map1}, {transform_indices = #map}, {transform_indices = #map}, {transform_indices = #map}, {transform_indices = #map}]} {
    %mul3A = arith.constant 2 : i32
    %mul3A_0 = arith.muli %arg1, %mul3A : i32
    %add3A = arith.addi %mul3A_0, %arg0 : i32
    %dma_start3A = arith.constant 0 : i32
    %dma_start3A_1 = arith.constant 0 : i32
    %dma_start3A_2 = tpu.memref_slice %arg3[%add3A, %dma_start3A, %dma_start3A_1] : memref<32x768x128xf32, #tpu.memory_space<hbm>> -> memref<1x768x128xf32, #tpu.memory_space<hbm>>
    %dma_start3A_3 = tpu.memref_squeeze %dma_start3A_2 : memref<1x768x128xf32, #tpu.memory_space<hbm>> -> memref<768x128xf32, #tpu.memory_space<hbm>>
    %dma_start3A_4 = arith.constant 0 : i32
    %dma_start3A_5 = arith.constant 0 : i32
    %dma_start3A_6 = tpu.memref_slice %arg3[%add3A, %dma_start3A_4, %dma_start3A_5] : memref<32x768x128xf32, #tpu.memory_space<hbm>> -> memref<1x768x128xf32, #tpu.memory_space<hbm>>
    %dma_start3A_7 = tpu.memref_squeeze %dma_start3A_6 : memref<1x768x128xf32, #tpu.memory_space<hbm>> -> memref<768x128xf32, #tpu.memory_space<hbm>>
    tpu.enqueue_dma source(%dma_start3A_7 : memref<768x128xf32, #tpu.memory_space<hbm>>) target(%arg8 : memref<768x128xf32, #tpu.memory_space<vmem>>) target_semaphore(%arg15 : memref<!tpu.dma_semaphore, #tpu.memory_space<semaphore_mem>>)
    "tpu.region"() ({
      %run_scoped3A = tpu.sem_alloc : memref<!tpu.dma_semaphore, #tpu.memory_space<semaphore_mem>>
      %dma_start3A_520 = arith.constant 0 : i32
      %dma_start3A_521 = tpu.memref_slice %arg2[%add3A, %dma_start3A_520] : memref<32x9024xf32, #tpu.memory_space<hbm>> -> memref<1x9024xf32, #tpu.memory_space<hbm>>
      %dma_start3A_522 = tpu.memref_squeeze %dma_start3A_521 : memref<1x9024xf32, #tpu.memory_space<hbm>> -> memref<9024xf32, #tpu.memory_space<hbm>>
      %dma_start3A_523 = arith.constant 0 : i32
      %dma_start3A_524 = tpu.memref_slice %arg2[%add3A, %dma_start3A_523] : memref<32x9024xf32, #tpu.memory_space<hbm>> -> memref<1x9024xf32, #tpu.memory_space<hbm>>
      %dma_start3A_525 = tpu.memref_squeeze %dma_start3A_524 : memref<1x9024xf32, #tpu.memory_space<hbm>> -> memref<9024xf32, #tpu.memory_space<hbm>>
      tpu.enqueue_dma source(%dma_start3A_525 : memref<9024xf32, #tpu.memory_space<hbm>>) target(%arg9 : memref<9024xf32, #tpu.memory_space<vmem>>) target_semaphore(%run_scoped3A : memref<!tpu.dma_semaphore, #tpu.memory_space<semaphore_mem>>)
      %dma_wait3A_526 = arith.constant 0 : i32
      %dma_wait3A_527 = tpu.memref_slice %arg2[%add3A, %dma_wait3A_526] : memref<32x9024xf32, #tpu.memory_space<hbm>> -> memref<1x9024xf32, #tpu.memory_space<hbm>>
      %dma_wait3A_528 = tpu.memref_squeeze %dma_wait3A_527 : memref<1x9024xf32, #tpu.memory_space<hbm>> -> memref<9024xf32, #tpu.memory_space<hbm>>
      %dma_wait3A_529 = arith.constant 0 : i32
      %dma_wait3A_530 = tpu.memref_slice %arg2[%add3A, %dma_wait3A_529] : memref<32x9024xf32, #tpu.memory_space<hbm>> -> memref<1x9024xf32, #tpu.memory_space<hbm>>
      %dma_wait3A_531 = tpu.memref_squeeze %dma_wait3A_530 : memref<1x9024xf32, #tpu.memory_space<hbm>> -> memref<9024xf32, #tpu.memory_space<hbm>>
      tpu.wait_dma2 semaphore(%run_scoped3A : memref<!tpu.dma_semaphore, #tpu.memory_space<semaphore_mem>>) src(%dma_wait3A_531 : memref<9024xf32, #tpu.memory_space<hbm>>) dst(%arg9 : memref<9024xf32, #tpu.memory_space<vmem>>)
      tpu.yield
    }) : () -> ()
    "tpu.region"() ({
      %run_scoped3A = tpu.sem_alloc : memref<!tpu.dma_semaphore, #tpu.memory_space<semaphore_mem>>
      %dma_start3A_520 = arith.constant 0 : i32
      %dma_start3A_521 = tpu.memref_slice %arg4[%add3A, %dma_start3A_520] : memref<32x320xf32, #tpu.memory_space<hbm>> -> memref<1x320xf32, #tpu.memory_space<hbm>>
      %dma_start3A_522 = tpu.memref_squeeze %dma_start3A_521 : memref<1x320xf32, #tpu.memory_space<hbm>> -> memref<320xf32, #tpu.memory_space<hbm>>
      %dma_start3A_523 = arith.constant 0 : i32
      %dma_start3A_524 = tpu.memref_slice %arg4[%add3A, %dma_start3A_523] : memref<32x320xf32, #tpu.memory_space<hbm>> -> memref<1x320xf32, #tpu.memory_space<hbm>>
      %dma_start3A_525 = tpu.memref_squeeze %dma_start3A_524 : memref<1x320xf32, #tpu.memory_space<hbm>> -> memref<320xf32, #tpu.memory_space<hbm>>
      tpu.enqueue_dma source(%dma_start3A_525 : memref<320xf32, #tpu.memory_space<hbm>>) target(%arg10 : memref<320xf32, #tpu.memory_space<vmem>>) target_semaphore(%run_scoped3A : memref<!tpu.dma_semaphore, #tpu.memory_space<semaphore_mem>>)
      %dma_wait3A_526 = arith.constant 0 : i32
      %dma_wait3A_527 = tpu.memref_slice %arg4[%add3A, %dma_wait3A_526] : memref<32x320xf32, #tpu.memory_space<hbm>> -> memref<1x320xf32, #tpu.memory_space<hbm>>
      %dma_wait3A_528 = tpu.memref_squeeze %dma_wait3A_527 : memref<1x320xf32, #tpu.memory_space<hbm>> -> memref<320xf32, #tpu.memory_space<hbm>>
      %dma_wait3A_529 = arith.constant 0 : i32
      %dma_wait3A_530 = tpu.memref_slice %arg4[%add3A, %dma_wait3A_529] : memref<32x320xf32, #tpu.memory_space<hbm>> -> memref<1x320xf32, #tpu.memory_space<hbm>>
      %dma_wait3A_531 = tpu.memref_squeeze %dma_wait3A_530 : memref<1x320xf32, #tpu.memory_space<hbm>> -> memref<320xf32, #tpu.memory_space<hbm>>
      tpu.wait_dma2 semaphore(%run_scoped3A : memref<!tpu.dma_semaphore, #tpu.memory_space<semaphore_mem>>) src(%dma_wait3A_531 : memref<320xf32, #tpu.memory_space<hbm>>) dst(%arg10 : memref<320xf32, #tpu.memory_space<vmem>>)
      tpu.yield
    }) : () -> ()
    %iota3A = tpu.iota {dimensions = array<i32: 0>} : vector<16xi32>
    %add3A_8 = arith.constant 0 : i32
    %add3A_9 = vector.broadcast %add3A_8 : i32 to vector<16xi32>
    %add3A_10 = arith.addi %add3A_9, %iota3A : vector<16xi32>
    %min3A = arith.constant 19 : i32
    %min3A_11 = vector.broadcast %min3A : i32 to vector<16xi32>
    %min3A_12 = arith.minsi %add3A_10, %min3A_11 : vector<16xi32>
    %mul3A_13 = arith.constant 16 : i32
    %mul3A_14 = vector.broadcast %mul3A_13 : i32 to vector<16xi32>
    %mul3A_15 = arith.muli %min3A_12, %mul3A_14 : vector<16xi32>
    %add3A_16 = arith.constant 0 : i32
    %add3A_17 = vector.broadcast %add3A_16 : i32 to vector<16xi32>
    %add3A_18 = arith.addi %mul3A_15, %add3A_17 : vector<16xi32>
    %gather3A = tpu.vector_load_idx %arg10[%add3A_18] : memref<320xf32, #tpu.memory_space<vmem>>[vector<16xi32>], vector<16xf32>,
    %add3A_19 = arith.constant 1 : i32
    %add3A_20 = vector.broadcast %add3A_19 : i32 to vector<16xi32>
    %add3A_21 = arith.addi %mul3A_15, %add3A_20 : vector<16xi32>
    %gather3A_22 = tpu.vector_load_idx %arg10[%add3A_21] : memref<320xf32, #tpu.memory_space<vmem>>[vector<16xi32>], vector<16xf32>,
    %add3A_23 = arith.constant 2 : i32
    %add3A_24 = vector.broadcast %add3A_23 : i32 to vector<16xi32>
    %add3A_25 = arith.addi %mul3A_15, %add3A_24 : vector<16xi32>
    %gather3A_26 = tpu.vector_load_idx %arg10[%add3A_25] : memref<320xf32, #tpu.memory_space<vmem>>[vector<16xi32>], vector<16xf32>,
    %add3A_27 = arith.constant 3 : i32
    %add3A_28 = vector.broadcast %add3A_27 : i32 to vector<16xi32>
    %add3A_29 = arith.addi %mul3A_15, %add3A_28 : vector<16xi32>
    %gather3A_30 = tpu.vector_load_idx %arg10[%add3A_29] : memref<320xf32, #tpu.memory_space<vmem>>[vector<16xi32>], vector<16xf32>,
    %add3A_31 = arith.constant 4 : i32
    %add3A_32 = vector.broadcast %add3A_31 : i32 to vector<16xi32>
    %add3A_33 = arith.addi %mul3A_15, %add3A_32 : vector<16xi32>
    %gather3A_34 = tpu.vector_load_idx %arg10[%add3A_33] : memref<320xf32, #tpu.memory_space<vmem>>[vector<16xi32>], vector<16xf32>,
    %add3A_35 = arith.constant 5 : i32
    %add3A_36 = vector.broadcast %add3A_35 : i32 to vector<16xi32>
    %add3A_37 = arith.addi %mul3A_15, %add3A_36 : vector<16xi32>
    %gather3A_38 = tpu.vector_load_idx %arg10[%add3A_37] : memref<320xf32, #tpu.memory_space<vmem>>[vector<16xi32>], vector<16xf32>,
    %add3A_39 = arith.constant 6 : i32
    %add3A_40 = vector.broadcast %add3A_39 : i32 to vector<16xi32>
    %add3A_41 = arith.addi %mul3A_15, %add3A_40 : vector<16xi32>
    %gather3A_42 = tpu.vector_load_idx %arg10[%add3A_41] : memref<320xf32, #tpu.memory_space<vmem>>[vector<16xi32>], vector<16xf32>,
    %add3A_43 = arith.constant 7 : i32
    %add3A_44 = vector.broadcast %add3A_43 : i32 to vector<16xi32>
    %add3A_45 = arith.addi %mul3A_15, %add3A_44 : vector<16xi32>
    %gather3A_46 = tpu.vector_load_idx %arg10[%add3A_45] : memref<320xf32, #tpu.memory_space<vmem>>[vector<16xi32>], vector<16xf32>,
    %add3A_47 = arith.constant 8 : i32
    %add3A_48 = vector.broadcast %add3A_47 : i32 to vector<16xi32>
    %add3A_49 = arith.addi %mul3A_15, %add3A_48 : vector<16xi32>
    %gather3A_50 = tpu.vector_load_idx %arg10[%add3A_49] : memref<320xf32, #tpu.memory_space<vmem>>[vector<16xi32>], vector<16xf32>,
    %add3A_51 = arith.constant 9 : i32
    %add3A_52 = vector.broadcast %add3A_51 : i32 to vector<16xi32>
    %add3A_53 = arith.addi %mul3A_15, %add3A_52 : vector<16xi32>
    %gather3A_54 = tpu.vector_load_idx %arg10[%add3A_53] : memref<320xf32, #tpu.memory_space<vmem>>[vector<16xi32>], vector<16xf32>,
    %add3A_55 = arith.constant 10 : i32
    %add3A_56 = vector.broadcast %add3A_55 : i32 to vector<16xi32>
    %add3A_57 = arith.addi %mul3A_15, %add3A_56 : vector<16xi32>
    %gather3A_58 = tpu.vector_load_idx %arg10[%add3A_57] : memref<320xf32, #tpu.memory_space<vmem>>[vector<16xi32>], vector<16xf32>,
    %mul3A_59 = arith.mulf %gather3A_42, %gather3A_42 : vector<16xf32>
    %mul3A_60 = arith.mulf %gather3A_46, %gather3A_46 : vector<16xf32>
    %add3A_61 = arith.addf %mul3A_59, %mul3A_60 : vector<16xf32>
    %mul3A_62 = arith.mulf %gather3A_50, %gather3A_50 : vector<16xf32>
    %add3A_63 = arith.addf %add3A_61, %mul3A_62 : vector<16xf32>
    %mul3A_64 = arith.mulf %gather3A_54, %gather3A_54 : vector<16xf32>
    %add3A_65 = arith.addf %add3A_63, %mul3A_64 : vector<16xf32>
    %bitcast3A = vector.bitcast %add3A_65 : vector<16xf32> to vector<16xi32>
    %broadcast_in_dim3A = arith.constant 1 : i32
    %broadcast_in_dim3A_66 = vector.broadcast %broadcast_in_dim3A : i32 to vector<16xi32>
    %shift_right_logical3A = arith.shrui %bitcast3A, %broadcast_in_dim3A_66 : vector<16xi32>
    %sub3A = arith.constant 1597463007 : i32
    %sub3A_67 = vector.broadcast %sub3A : i32 to vector<16xi32>
    %sub3A_68 = arith.subi %sub3A_67, %shift_right_logical3A : vector<16xi32>
    %bitcast3A_69 = vector.bitcast %sub3A_68 : vector<16xi32> to vector<16xf32>
    %mul3A_70 = arith.constant 5.000000e-01 : f32
    %mul3A_71 = vector.broadcast %mul3A_70 : f32 to vector<16xf32>
    %mul3A_72 = arith.mulf %mul3A_71, %add3A_65 : vector<16xf32>
    %mul3A_73 = arith.mulf %mul3A_72, %bitcast3A_69 : vector<16xf32>
    %mul3A_74 = arith.mulf %mul3A_73, %bitcast3A_69 : vector<16xf32>
    %sub3A_75 = arith.constant 1.500000e+00 : f32
    %sub3A_76 = vector.broadcast %sub3A_75 : f32 to vector<16xf32>
    %sub3A_77 = arith.subf %sub3A_76, %mul3A_74 : vector<16xf32>
    %mul3A_78 = arith.mulf %bitcast3A_69, %sub3A_77 : vector<16xf32>
    %mul3A_79 = arith.constant 5.000000e-01 : f32
    %mul3A_80 = vector.broadcast %mul3A_79 : f32 to vector<16xf32>
    %mul3A_81 = arith.mulf %mul3A_80, %add3A_65 : vector<16xf32>
    %mul3A_82 = arith.mulf %mul3A_81, %mul3A_78 : vector<16xf32>
    %mul3A_83 = arith.mulf %mul3A_82, %mul3A_78 : vector<16xf32>
    %sub3A_84 = arith.constant 1.500000e+00 : f32
    %sub3A_85 = vector.broadcast %sub3A_84 : f32 to vector<16xf32>
    %sub3A_86 = arith.subf %sub3A_85, %mul3A_83 : vector<16xf32>
    %mul3A_87 = arith.mulf %mul3A_78, %sub3A_86 : vector<16xf32>
    %mul3A_88 = arith.constant 5.000000e-01 : f32
    %mul3A_89 = vector.broadcast %mul3A_88 : f32 to vector<16xf32>
    %mul3A_90 = arith.mulf %mul3A_89, %add3A_65 : vector<16xf32>
    %mul3A_91 = arith.mulf %mul3A_90, %mul3A_87 : vector<16xf32>
    %mul3A_92 = arith.mulf %mul3A_91, %mul3A_87 : vector<16xf32>
    %sub3A_93 = arith.constant 1.500000e+00 : f32
    %sub3A_94 = vector.broadcast %sub3A_93 : f32 to vector<16xf32>
    %sub3A_95 = arith.subf %sub3A_94, %mul3A_92 : vector<16xf32>
    %mul3A_96 = arith.mulf %mul3A_87, %sub3A_95 : vector<16xf32>
    %mul3A_97 = arith.mulf %add3A_65, %mul3A_96 : vector<16xf32>
    %gt3A = arith.constant 1.000000e-35 : f32
    %gt3A_98 = vector.broadcast %gt3A : f32 to vector<16xf32>
    %gt3A_99 = arith.cmpf ogt, %add3A_65, %gt3A_98 : vector<16xf32>
    %gt3A_100 = arith.constant 0.000000e+00 : f32
    %gt3A_101 = vector.broadcast %gt3A_100 : f32 to vector<16xf32>
    %gt3A_102 = arith.cmpf ogt, %mul3A_97, %gt3A_101 : vector<16xf32>
    %jit3A = arith.constant 1.000000e+00 : f32
    %broadcast_in_dim3A_103 = vector.broadcast %jit3A : f32 to vector<16xf32>
    %select_n3A = arith.select %gt3A_102, %mul3A_97, %broadcast_in_dim3A_103 : vector<16xi1>, vector<16xf32>
    %div3A = arith.divf %add3A_65, %select_n3A : vector<16xf32>
    %add3A_104 = arith.addf %mul3A_97, %div3A : vector<16xf32>
    %mul3A_105 = arith.constant 5.000000e-01 : f32
    %mul3A_106 = vector.broadcast %mul3A_105 : f32 to vector<16xf32>
    %mul3A_107 = arith.mulf %mul3A_106, %add3A_104 : vector<16xf32>
    %jit3A_108 = arith.constant 0.000000e+00 : f32
    %broadcast_in_dim3A_109 = vector.broadcast %jit3A_108 : f32 to vector<16xf32>
    %select_n3A_110 = arith.select %gt3A_99, %mul3A_107, %broadcast_in_dim3A_109 : vector<16xi1>, vector<16xf32>
    %add3A_111 = arith.constant 9.99999993E-9 : f32
    %add3A_112 = vector.broadcast %add3A_111 : f32 to vector<16xf32>
    %add3A_113 = arith.addf %select_n3A_110, %add3A_112 : vector<16xf32>
    %div3A_114 = arith.constant 1.000000e+00 : f32
    %div3A_115 = vector.broadcast %div3A_114 : f32 to vector<16xf32>
    %div3A_116 = arith.divf %div3A_115, %add3A_113 : vector<16xf32>
    %mul3A_117 = arith.mulf %gather3A_42, %div3A_116 : vector<16xf32>
    %mul3A_118 = arith.mulf %gather3A_46, %div3A_116 : vector<16xf32>
    %mul3A_119 = arith.mulf %gather3A_50, %div3A_116 : vector<16xf32>
    %mul3A_120 = arith.mulf %gather3A_54, %div3A_116 : vector<16xf32>
    %mul3A_121 = arith.mulf %mul3A_118, %mul3A_118 : vector<16xf32>
    %mul3A_122 = arith.mulf %mul3A_119, %mul3A_119 : vector<16xf32>
    %mul3A_123 = arith.mulf %mul3A_120, %mul3A_120 : vector<16xf32>
    %mul3A_124 = arith.mulf %mul3A_118, %mul3A_119 : vector<16xf32>
    %mul3A_125 = arith.mulf %mul3A_118, %mul3A_120 : vector<16xf32>
    %mul3A_126 = arith.mulf %mul3A_119, %mul3A_120 : vector<16xf32>
    %mul3A_127 = arith.mulf %mul3A_117, %mul3A_118 : vector<16xf32>
    %mul3A_128 = arith.mulf %mul3A_117, %mul3A_119 : vector<16xf32>
    %mul3A_129 = arith.mulf %mul3A_117, %mul3A_120 : vector<16xf32>
    %add3A_130 = arith.addf %mul3A_122, %mul3A_123 : vector<16xf32>
    %mul3A_131 = arith.constant 2.000000e+00 : f32
    %mul3A_132 = vector.broadcast %mul3A_131 : f32 to vector<16xf32>
    %mul3A_133 = arith.mulf %mul3A_132, %add3A_130 : vector<16xf32>
    %sub3A_134 = arith.constant 1.000000e+00 : f32
    %sub3A_135 = vector.broadcast %sub3A_134 : f32 to vector<16xf32>
    %sub3A_136 = arith.subf %sub3A_135, %mul3A_133 : vector<16xf32>
    %mul3A_137 = arith.mulf %sub3A_136, %gather3A : vector<16xf32>
    %sub3A_138 = arith.subf %mul3A_124, %mul3A_129 : vector<16xf32>
    %mul3A_139 = arith.constant 2.000000e+00 : f32
    %mul3A_140 = vector.broadcast %mul3A_139 : f32 to vector<16xf32>
    %mul3A_141 = arith.mulf %mul3A_140, %sub3A_138 : vector<16xf32>
    %mul3A_142 = arith.mulf %mul3A_141, %gather3A_22 : vector<16xf32>
    %add3A_143 = arith.addf %mul3A_125, %mul3A_128 : vector<16xf32>
    %mul3A_144 = arith.constant 2.000000e+00 : f32
    %mul3A_145 = vector.broadcast %mul3A_144 : f32 to vector<16xf32>
    %mul3A_146 = arith.mulf %mul3A_145, %add3A_143 : vector<16xf32>
    %mul3A_147 = arith.mulf %mul3A_146, %gather3A_26 : vector<16xf32>
    %add3A_148 = arith.addf %mul3A_124, %mul3A_129 : vector<16xf32>
    %mul3A_149 = arith.constant 2.000000e+00 : f32
    %mul3A_150 = vector.broadcast %mul3A_149 : f32 to vector<16xf32>
    %mul3A_151 = arith.mulf %mul3A_150, %add3A_148 : vector<16xf32>
    %mul3A_152 = arith.mulf %mul3A_151, %gather3A : vector<16xf32>
    %add3A_153 = arith.addf %mul3A_121, %mul3A_123 : vector<16xf32>
    %mul3A_154 = arith.constant 2.000000e+00 : f32
    %mul3A_155 = vector.broadcast %mul3A_154 : f32 to vector<16xf32>
    %mul3A_156 = arith.mulf %mul3A_155, %add3A_153 : vector<16xf32>
    %sub3A_157 = arith.constant 1.000000e+00 : f32
    %sub3A_158 = vector.broadcast %sub3A_157 : f32 to vector<16xf32>
    %sub3A_159 = arith.subf %sub3A_158, %mul3A_156 : vector<16xf32>
    %mul3A_160 = arith.mulf %sub3A_159, %gather3A_22 : vector<16xf32>
    %sub3A_161 = arith.subf %mul3A_126, %mul3A_127 : vector<16xf32>
    %mul3A_162 = arith.constant 2.000000e+00 : f32
    %mul3A_163 = vector.broadcast %mul3A_162 : f32 to vector<16xf32>
    %mul3A_164 = arith.mulf %mul3A_163, %sub3A_161 : vector<16xf32>
    %mul3A_165 = arith.mulf %mul3A_164, %gather3A_26 : vector<16xf32>
    %sub3A_166 = arith.subf %mul3A_125, %mul3A_128 : vector<16xf32>
    %mul3A_167 = arith.constant 2.000000e+00 : f32
    %mul3A_168 = vector.broadcast %mul3A_167 : f32 to vector<16xf32>
    %mul3A_169 = arith.mulf %mul3A_168, %sub3A_166 : vector<16xf32>
    %mul3A_170 = arith.mulf %mul3A_169, %gather3A : vector<16xf32>
    %add3A_171 = arith.addf %mul3A_126, %mul3A_127 : vector<16xf32>
    %mul3A_172 = arith.constant 2.000000e+00 : f32
    %mul3A_173 = vector.broadcast %mul3A_172 : f32 to vector<16xf32>
    %mul3A_174 = arith.mulf %mul3A_173, %add3A_171 : vector<16xf32>
    %mul3A_175 = arith.mulf %mul3A_174, %gather3A_22 : vector<16xf32>
    %add3A_176 = arith.addf %mul3A_121, %mul3A_122 : vector<16xf32>
    %mul3A_177 = arith.constant 2.000000e+00 : f32
    %mul3A_178 = vector.broadcast %mul3A_177 : f32 to vector<16xf32>
    %mul3A_179 = arith.mulf %mul3A_178, %add3A_176 : vector<16xf32>
    %sub3A_180 = arith.constant 1.000000e+00 : f32
    %sub3A_181 = vector.broadcast %sub3A_180 : f32 to vector<16xf32>
    %sub3A_182 = arith.subf %sub3A_181, %mul3A_179 : vector<16xf32>
    %mul3A_183 = arith.mulf %sub3A_182, %gather3A_26 : vector<16xf32>
    %mul3A_184 = arith.mulf %gather3A, %gather3A_22 : vector<16xf32>
    %mul3A_185 = arith.mulf %gather3A_22, %gather3A_26 : vector<16xf32>
    %add3A_186 = arith.addf %mul3A_184, %mul3A_185 : vector<16xf32>
    %mul3A_187 = arith.mulf %gather3A, %gather3A_26 : vector<16xf32>
    %add3A_188 = arith.addf %add3A_186, %mul3A_187 : vector<16xf32>
    %mul3A_189 = arith.constant 8.000000e+00 : f32
    %mul3A_190 = vector.broadcast %mul3A_189 : f32 to vector<16xf32>
    %mul3A_191 = arith.mulf %mul3A_190, %add3A_188 : vector<16xf32>
    %mul3A_192 = arith.constant 0.00666666683 : f32
    %mul3A_193 = vector.broadcast %mul3A_192 : f32 to vector<16xf32>
    %mul3A_194 = arith.mulf %mul3A_191, %mul3A_193 : vector<16xf32>
    %mul3A_195 = arith.mulf %mul3A_194, %gather3A_58 : vector<16xf32>
    %add3A_196 = arith.constant 0 : i32
    %add3A_197 = vector.broadcast %add3A_196 : i32 to vector<16xi32>
    %add3A_198 = arith.addi %mul3A_15, %add3A_197 : vector<16xi32>
    tpu.vector_store_idx %arg11[%add3A_198], %mul3A_137 : memref<320xf32, #tpu.memory_space<vmem>>[vector<16xi32>], vector<16xf32>,
    %add3A_199 = arith.constant 1 : i32
    %add3A_200 = vector.broadcast %add3A_199 : i32 to vector<16xi32>
    %add3A_201 = arith.addi %mul3A_15, %add3A_200 : vector<16xi32>
    tpu.vector_store_idx %arg11[%add3A_201], %mul3A_142 : memref<320xf32, #tpu.memory_space<vmem>>[vector<16xi32>], vector<16xf32>,
    %add3A_202 = arith.constant 2 : i32
    %add3A_203 = vector.broadcast %add3A_202 : i32 to vector<16xi32>
    %add3A_204 = arith.addi %mul3A_15, %add3A_203 : vector<16xi32>
    tpu.vector_store_idx %arg11[%add3A_204], %mul3A_147 : memref<320xf32, #tpu.memory_space<vmem>>[vector<16xi32>], vector<16xf32>,
    %add3A_205 = arith.constant 3 : i32
    %add3A_206 = vector.broadcast %add3A_205 : i32 to vector<16xi32>
    %add3A_207 = arith.addi %mul3A_15, %add3A_206 : vector<16xi32>
    tpu.vector_store_idx %arg11[%add3A_207], %mul3A_152 : memref<320xf32, #tpu.memory_space<vmem>>[vector<16xi32>], vector<16xf32>,
    %add3A_208 = arith.constant 4 : i32
    %add3A_209 = vector.broadcast %add3A_208 : i32 to vector<16xi32>
    %add3A_210 = arith.addi %mul3A_15, %add3A_209 : vector<16xi32>
    tpu.vector_store_idx %arg11[%add3A_210], %mul3A_160 : memref<320xf32, #tpu.memory_space<vmem>>[vector<16xi32>], vector<16xf32>,
    %add3A_211 = arith.constant 5 : i32
    %add3A_212 = vector.broadcast %add3A_211 : i32 to vector<16xi32>
    %add3A_213 = arith.addi %mul3A_15, %add3A_212 : vector<16xi32>
    tpu.vector_store_idx %arg11[%add3A_213], %mul3A_165 : memref<320xf32, #tpu.memory_space<vmem>>[vector<16xi32>], vector<16xf32>,
    %add3A_214 = arith.constant 6 : i32
    %add3A_215 = vector.broadcast %add3A_214 : i32 to vector<16xi32>
    %add3A_216 = arith.addi %mul3A_15, %add3A_215 : vector<16xi32>
    tpu.vector_store_idx %arg11[%add3A_216], %mul3A_170 : memref<320xf32, #tpu.memory_space<vmem>>[vector<16xi32>], vector<16xf32>,
    %add3A_217 = arith.constant 7 : i32
    %add3A_218 = vector.broadcast %add3A_217 : i32 to vector<16xi32>
    %add3A_219 = arith.addi %mul3A_15, %add3A_218 : vector<16xi32>
    tpu.vector_store_idx %arg11[%add3A_219], %mul3A_175 : memref<320xf32, #tpu.memory_space<vmem>>[vector<16xi32>], vector<16xf32>,
    %add3A_220 = arith.constant 8 : i32
    %add3A_221 = vector.broadcast %add3A_220 : i32 to vector<16xi32>
    %add3A_222 = arith.addi %mul3A_15, %add3A_221 : vector<16xi32>
    tpu.vector_store_idx %arg11[%add3A_222], %mul3A_183 : memref<320xf32, #tpu.memory_space<vmem>>[vector<16xi32>], vector<16xf32>,
    %add3A_223 = arith.constant 9 : i32
    %add3A_224 = vector.broadcast %add3A_223 : i32 to vector<16xi32>
    %add3A_225 = arith.addi %mul3A_15, %add3A_224 : vector<16xi32>
    tpu.vector_store_idx %arg11[%add3A_225], %gather3A_30 : memref<320xf32, #tpu.memory_space<vmem>>[vector<16xi32>], vector<16xf32>,
    %add3A_226 = arith.constant 10 : i32
    %add3A_227 = vector.broadcast %add3A_226 : i32 to vector<16xi32>
    %add3A_228 = arith.addi %mul3A_15, %add3A_227 : vector<16xi32>
    tpu.vector_store_idx %arg11[%add3A_228], %gather3A_34 : memref<320xf32, #tpu.memory_space<vmem>>[vector<16xi32>], vector<16xf32>,
    %add3A_229 = arith.constant 11 : i32
    %add3A_230 = vector.broadcast %add3A_229 : i32 to vector<16xi32>
    %add3A_231 = arith.addi %mul3A_15, %add3A_230 : vector<16xi32>
    tpu.vector_store_idx %arg11[%add3A_231], %gather3A_38 : memref<320xf32, #tpu.memory_space<vmem>>[vector<16xi32>], vector<16xf32>,
    %add3A_232 = arith.constant 12 : i32
    %add3A_233 = vector.broadcast %add3A_232 : i32 to vector<16xi32>
    %add3A_234 = arith.addi %mul3A_15, %add3A_233 : vector<16xi32>
    tpu.vector_store_idx %arg11[%add3A_234], %mul3A_195 : memref<320xf32, #tpu.memory_space<vmem>>[vector<16xi32>], vector<16xf32>,
    %add3A_235 = arith.constant 13 : i32
    %add3A_236 = vector.broadcast %add3A_235 : i32 to vector<16xi32>
    %add3A_237 = arith.addi %mul3A_15, %add3A_236 : vector<16xi32>
    tpu.vector_store_idx %arg11[%add3A_237], %gather3A_58 : memref<320xf32, #tpu.memory_space<vmem>>[vector<16xi32>], vector<16xf32>,
    %add3A_238 = arith.constant 16 : i32
    %add3A_239 = vector.broadcast %add3A_238 : i32 to vector<16xi32>
    %add3A_240 = arith.addi %add3A_239, %iota3A : vector<16xi32>
    %min3A_241 = arith.constant 19 : i32
    %min3A_242 = vector.broadcast %min3A_241 : i32 to vector<16xi32>
    %min3A_243 = arith.minsi %add3A_240, %min3A_242 : vector<16xi32>
    %mul3A_244 = arith.constant 16 : i32
    %mul3A_245 = vector.broadcast %mul3A_244 : i32 to vector<16xi32>
    %mul3A_246 = arith.muli %min3A_243, %mul3A_245 : vector<16xi32>
    %add3A_247 = arith.constant 0 : i32
    %add3A_248 = vector.broadcast %add3A_247 : i32 to vector<16xi32>
    %add3A_249 = arith.addi %mul3A_246, %add3A_248 : vector<16xi32>
    %gather3A_250 = tpu.vector_load_idx %arg10[%add3A_249] : memref<320xf32, #tpu.memory_space<vmem>>[vector<16xi32>], vector<16xf32>,
    %add3A_251 = arith.constant 1 : i32
    %add3A_252 = vector.broadcast %add3A_251 : i32 to vector<16xi32>
    %add3A_253 = arith.addi %mul3A_246, %add3A_252 : vector<16xi32>
    %gather3A_254 = tpu.vector_load_idx %arg10[%add3A_253] : memref<320xf32, #tpu.memory_space<vmem>>[vector<16xi32>], vector<16xf32>,
    %add3A_255 = arith.constant 2 : i32
    %add3A_256 = vector.broadcast %add3A_255 : i32 to vector<16xi32>
    %add3A_257 = arith.addi %mul3A_246, %add3A_256 : vector<16xi32>
    %gather3A_258 = tpu.vector_load_idx %arg10[%add3A_257] : memref<320xf32, #tpu.memory_space<vmem>>[vector<16xi32>], vector<16xf32>,
    %add3A_259 = arith.constant 3 : i32
    %add3A_260 = vector.broadcast %add3A_259 : i32 to vector<16xi32>
    %add3A_261 = arith.addi %mul3A_246, %add3A_260 : vector<16xi32>
    %gather3A_262 = tpu.vector_load_idx %arg10[%add3A_261] : memref<320xf32, #tpu.memory_space<vmem>>[vector<16xi32>], vector<16xf32>,
    %add3A_263 = arith.constant 4 : i32
    %add3A_264 = vector.broadcast %add3A_263 : i32 to vector<16xi32>
    %add3A_265 = arith.addi %mul3A_246, %add3A_264 : vector<16xi32>
    %gather3A_266 = tpu.vector_load_idx %arg10[%add3A_265] : memref<320xf32, #tpu.memory_space<vmem>>[vector<16xi32>], vector<16xf32>,
    %add3A_267 = arith.constant 5 : i32
    %add3A_268 = vector.broadcast %add3A_267 : i32 to vector<16xi32>
    %add3A_269 = arith.addi %mul3A_246, %add3A_268 : vector<16xi32>
    %gather3A_270 = tpu.vector_load_idx %arg10[%add3A_269] : memref<320xf32, #tpu.memory_space<vmem>>[vector<16xi32>], vector<16xf32>,
    %add3A_271 = arith.constant 6 : i32
    %add3A_272 = vector.broadcast %add3A_271 : i32 to vector<16xi32>
    %add3A_273 = arith.addi %mul3A_246, %add3A_272 : vector<16xi32>
    %gather3A_274 = tpu.vector_load_idx %arg10[%add3A_273] : memref<320xf32, #tpu.memory_space<vmem>>[vector<16xi32>], vector<16xf32>,
    %add3A_275 = arith.constant 7 : i32
    %add3A_276 = vector.broadcast %add3A_275 : i32 to vector<16xi32>
    %add3A_277 = arith.addi %mul3A_246, %add3A_276 : vector<16xi32>
    %gather3A_278 = tpu.vector_load_idx %arg10[%add3A_277] : memref<320xf32, #tpu.memory_space<vmem>>[vector<16xi32>], vector<16xf32>,
    %add3A_279 = arith.constant 8 : i32
    %add3A_280 = vector.broadcast %add3A_279 : i32 to vector<16xi32>
    %add3A_281 = arith.addi %mul3A_246, %add3A_280 : vector<16xi32>
    %gather3A_282 = tpu.vector_load_idx %arg10[%add3A_281] : memref<320xf32, #tpu.memory_space<vmem>>[vector<16xi32>], vector<16xf32>,
    %add3A_283 = arith.constant 9 : i32
    %add3A_284 = vector.broadcast %add3A_283 : i32 to vector<16xi32>
    %add3A_285 = arith.addi %mul3A_246, %add3A_284 : vector<16xi32>
    %gather3A_286 = tpu.vector_load_idx %arg10[%add3A_285] : memref<320xf32, #tpu.memory_space<vmem>>[vector<16xi32>], vector<16xf32>,
    %add3A_287 = arith.constant 10 : i32
    %add3A_288 = vector.broadcast %add3A_287 : i32 to vector<16xi32>
    %add3A_289 = arith.addi %mul3A_246, %add3A_288 : vector<16xi32>
    %gather3A_290 = tpu.vector_load_idx %arg10[%add3A_289] : memref<320xf32, #tpu.memory_space<vmem>>[vector<16xi32>], vector<16xf32>,
    %mul3A_291 = arith.mulf %gather3A_274, %gather3A_274 : vector<16xf32>
    %mul3A_292 = arith.mulf %gather3A_278, %gather3A_278 : vector<16xf32>
    %add3A_293 = arith.addf %mul3A_291, %mul3A_292 : vector<16xf32>
    %mul3A_294 = arith.mulf %gather3A_282, %gather3A_282 : vector<16xf32>
    %add3A_295 = arith.addf %add3A_293, %mul3A_294 : vector<16xf32>
    %mul3A_296 = arith.mulf %gather3A_286, %gather3A_286 : vector<16xf32>
    %add3A_297 = arith.addf %add3A_295, %mul3A_296 : vector<16xf32>
    %bitcast3A_298 = vector.bitcast %add3A_297 : vector<16xf32> to vector<16xi32>
    %broadcast_in_dim3A_299 = arith.constant 1 : i32
    %broadcast_in_dim3A_300 = vector.broadcast %broadcast_in_dim3A_299 : i32 to vector<16xi32>
    %shift_right_logical3A_301 = arith.shrui %bitcast3A_298, %broadcast_in_dim3A_300 : vector<16xi32>
    %sub3A_302 = arith.constant 1597463007 : i32
    %sub3A_303 = vector.broadcast %sub3A_302 : i32 to vector<16xi32>
    %sub3A_304 = arith.subi %sub3A_303, %shift_right_logical3A_301 : vector<16xi32>
    %bitcast3A_305 = vector.bitcast %sub3A_304 : vector<16xi32> to vector<16xf32>
    %mul3A_306 = arith.constant 5.000000e-01 : f32
    %mul3A_307 = vector.broadcast %mul3A_306 : f32 to vector<16xf32>
    %mul3A_308 = arith.mulf %mul3A_307, %add3A_297 : vector<16xf32>
    %mul3A_309 = arith.mulf %mul3A_308, %bitcast3A_305 : vector<16xf32>
    %mul3A_310 = arith.mulf %mul3A_309, %bitcast3A_305 : vector<16xf32>
    %sub3A_311 = arith.constant 1.500000e+00 : f32
    %sub3A_312 = vector.broadcast %sub3A_311 : f32 to vector<16xf32>
    %sub3A_313 = arith.subf %sub3A_312, %mul3A_310 : vector<16xf32>
    %mul3A_314 = arith.mulf %bitcast3A_305, %sub3A_313 : vector<16xf32>
    %mul3A_315 = arith.constant 5.000000e-01 : f32
    %mul3A_316 = vector.broadcast %mul3A_315 : f32 to vector<16xf32>
    %mul3A_317 = arith.mulf %mul3A_316, %add3A_297 : vector<16xf32>
    %mul3A_318 = arith.mulf %mul3A_317, %mul3A_314 : vector<16xf32>
    %mul3A_319 = arith.mulf %mul3A_318, %mul3A_314 : vector<16xf32>
    %sub3A_320 = arith.constant 1.500000e+00 : f32
    %sub3A_321 = vector.broadcast %sub3A_320 : f32 to vector<16xf32>
    %sub3A_322 = arith.subf %sub3A_321, %mul3A_319 : vector<16xf32>
    %mul3A_323 = arith.mulf %mul3A_314, %sub3A_322 : vector<16xf32>
    %mul3A_324 = arith.constant 5.000000e-01 : f32
    %mul3A_325 = vector.broadcast %mul3A_324 : f32 to vector<16xf32>
    %mul3A_326 = arith.mulf %mul3A_325, %add3A_297 : vector<16xf32>
    %mul3A_327 = arith.mulf %mul3A_326, %mul3A_323 : vector<16xf32>
    %mul3A_328 = arith.mulf %mul3A_327, %mul3A_323 : vector<16xf32>
    %sub3A_329 = arith.constant 1.500000e+00 : f32
    %sub3A_330 = vector.broadcast %sub3A_329 : f32 to vector<16xf32>
    %sub3A_331 = arith.subf %sub3A_330, %mul3A_328 : vector<16xf32>
    %mul3A_332 = arith.mulf %mul3A_323, %sub3A_331 : vector<16xf32>
    %mul3A_333 = arith.mulf %add3A_297, %mul3A_332 : vector<16xf32>
    %gt3A_334 = arith.constant 1.000000e-35 : f32
    %gt3A_335 = vector.broadcast %gt3A_334 : f32 to vector<16xf32>
    %gt3A_336 = arith.cmpf ogt, %add3A_297, %gt3A_335 : vector<16xf32>
    %gt3A_337 = arith.constant 0.000000e+00 : f32
    %gt3A_338 = vector.broadcast %gt3A_337 : f32 to vector<16xf32>
    %gt3A_339 = arith.cmpf ogt, %mul3A_333, %gt3A_338 : vector<16xf32>
    %jit3A_340 = arith.constant 1.000000e+00 : f32
    %broadcast_in_dim3A_341 = vector.broadcast %jit3A_340 : f32 to vector<16xf32>
    %select_n3A_342 = arith.select %gt3A_339, %mul3A_333, %broadcast_in_dim3A_341 : vector<16xi1>, vector<16xf32>
    %div3A_343 = arith.divf %add3A_297, %select_n3A_342 : vector<16xf32>
    %add3A_344 = arith.addf %mul3A_333, %div3A_343 : vector<16xf32>
    %mul3A_345 = arith.constant 5.000000e-01 : f32
    %mul3A_346 = vector.broadcast %mul3A_345 : f32 to vector<16xf32>
    %mul3A_347 = arith.mulf %mul3A_346, %add3A_344 : vector<16xf32>
    %jit3A_348 = arith.constant 0.000000e+00 : f32
    %broadcast_in_dim3A_349 = vector.broadcast %jit3A_348 : f32 to vector<16xf32>
    %select_n3A_350 = arith.select %gt3A_336, %mul3A_347, %broadcast_in_dim3A_349 : vector<16xi1>, vector<16xf32>
    %add3A_351 = arith.constant 9.99999993E-9 : f32
    %add3A_352 = vector.broadcast %add3A_351 : f32 to vector<16xf32>
    %add3A_353 = arith.addf %select_n3A_350, %add3A_352 : vector<16xf32>
    %div3A_354 = arith.constant 1.000000e+00 : f32
    %div3A_355 = vector.broadcast %div3A_354 : f32 to vector<16xf32>
    %div3A_356 = arith.divf %div3A_355, %add3A_353 : vector<16xf32>
    %mul3A_357 = arith.mulf %gather3A_274, %div3A_356 : vector<16xf32>
    %mul3A_358 = arith.mulf %gather3A_278, %div3A_356 : vector<16xf32>
    %mul3A_359 = arith.mulf %gather3A_282, %div3A_356 : vector<16xf32>
    %mul3A_360 = arith.mulf %gather3A_286, %div3A_356 : vector<16xf32>
    %mul3A_361 = arith.mulf %mul3A_358, %mul3A_358 : vector<16xf32>
    %mul3A_362 = arith.mulf %mul3A_359, %mul3A_359 : vector<16xf32>
    %mul3A_363 = arith.mulf %mul3A_360, %mul3A_360 : vector<16xf32>
    %mul3A_364 = arith.mulf %mul3A_358, %mul3A_359 : vector<16xf32>
    %mul3A_365 = arith.mulf %mul3A_358, %mul3A_360 : vector<16xf32>
    %mul3A_366 = arith.mulf %mul3A_359, %mul3A_360 : vector<16xf32>
    %mul3A_367 = arith.mulf %mul3A_357, %mul3A_358 : vector<16xf32>
    %mul3A_368 = arith.mulf %mul3A_357, %mul3A_359 : vector<16xf32>
    %mul3A_369 = arith.mulf %mul3A_357, %mul3A_360 : vector<16xf32>
    %add3A_370 = arith.addf %mul3A_362, %mul3A_363 : vector<16xf32>
    %mul3A_371 = arith.constant 2.000000e+00 : f32
    %mul3A_372 = vector.broadcast %mul3A_371 : f32 to vector<16xf32>
    %mul3A_373 = arith.mulf %mul3A_372, %add3A_370 : vector<16xf32>
    %sub3A_374 = arith.constant 1.000000e+00 : f32
    %sub3A_375 = vector.broadcast %sub3A_374 : f32 to vector<16xf32>
    %sub3A_376 = arith.subf %sub3A_375, %mul3A_373 : vector<16xf32>
    %mul3A_377 = arith.mulf %sub3A_376, %gather3A_250 : vector<16xf32>
    %sub3A_378 = arith.subf %mul3A_364, %mul3A_369 : vector<16xf32>
    %mul3A_379 = arith.constant 2.000000e+00 : f32
    %mul3A_380 = vector.broadcast %mul3A_379 : f32 to vector<16xf32>
    %mul3A_381 = arith.mulf %mul3A_380, %sub3A_378 : vector<16xf32>
    %mul3A_382 = arith.mulf %mul3A_381, %gather3A_254 : vector<16xf32>
    %add3A_383 = arith.addf %mul3A_365, %mul3A_368 : vector<16xf32>
    %mul3A_384 = arith.constant 2.000000e+00 : f32
    %mul3A_385 = vector.broadcast %mul3A_384 : f32 to vector<16xf32>
    %mul3A_386 = arith.mulf %mul3A_385, %add3A_383 : vector<16xf32>
    %mul3A_387 = arith.mulf %mul3A_386, %gather3A_258 : vector<16xf32>
    %add3A_388 = arith.addf %mul3A_364, %mul3A_369 : vector<16xf32>
    %mul3A_389 = arith.constant 2.000000e+00 : f32
    %mul3A_390 = vector.broadcast %mul3A_389 : f32 to vector<16xf32>
    %mul3A_391 = arith.mulf %mul3A_390, %add3A_388 : vector<16xf32>
    %mul3A_392 = arith.mulf %mul3A_391, %gather3A_250 : vector<16xf32>
    %add3A_393 = arith.addf %mul3A_361, %mul3A_363 : vector<16xf32>
    %mul3A_394 = arith.constant 2.000000e+00 : f32
    %mul3A_395 = vector.broadcast %mul3A_394 : f32 to vector<16xf32>
    %mul3A_396 = arith.mulf %mul3A_395, %add3A_393 : vector<16xf32>
    %sub3A_397 = arith.constant 1.000000e+00 : f32
    %sub3A_398 = vector.broadcast %sub3A_397 : f32 to vector<16xf32>
    %sub3A_399 = arith.subf %sub3A_398, %mul3A_396 : vector<16xf32>
    %mul3A_400 = arith.mulf %sub3A_399, %gather3A_254 : vector<16xf32>
    %sub3A_401 = arith.subf %mul3A_366, %mul3A_367 : vector<16xf32>
    %mul3A_402 = arith.constant 2.000000e+00 : f32
    %mul3A_403 = vector.broadcast %mul3A_402 : f32 to vector<16xf32>
    %mul3A_404 = arith.mulf %mul3A_403, %sub3A_401 : vector<16xf32>
    %mul3A_405 = arith.mulf %mul3A_404, %gather3A_258 : vector<16xf32>
    %sub3A_406 = arith.subf %mul3A_365, %mul3A_368 : vector<16xf32>
    %mul3A_407 = arith.constant 2.000000e+00 : f32
    %mul3A_408 = vector.broadcast %mul3A_407 : f32 to vector<16xf32>
    %mul3A_409 = arith.mulf %mul3A_408, %sub3A_406 : vector<16xf32>
    %mul3A_410 = arith.mulf %mul3A_409, %gather3A_250 : vector<16xf32>
    %add3A_411 = arith.addf %mul3A_366, %mul3A_367 : vector<16xf32>
    %mul3A_412 = arith.constant 2.000000e+00 : f32
    %mul3A_413 = vector.broadcast %mul3A_412 : f32 to vector<16xf32>
    %mul3A_414 = arith.mulf %mul3A_413, %add3A_411 : vector<16xf32>
    %mul3A_415 = arith.mulf %mul3A_414, %gather3A_254 : vector<16xf32>
    %add3A_416 = arith.addf %mul3A_361, %mul3A_362 : vector<16xf32>
    %mul3A_417 = arith.constant 2.000000e+00 : f32
    %mul3A_418 = vector.broadcast %mul3A_417 : f32 to vector<16xf32>
    %mul3A_419 = arith.mulf %mul3A_418, %add3A_416 : vector<16xf32>
    %sub3A_420 = arith.constant 1.000000e+00 : f32
    %sub3A_421 = vector.broadcast %sub3A_420 : f32 to vector<16xf32>
    %sub3A_422 = arith.subf %sub3A_421, %mul3A_419 : vector<16xf32>
    %mul3A_423 = arith.mulf %sub3A_422, %gather3A_258 : vector<16xf32>
    %mul3A_424 = arith.mulf %gather3A_250, %gather3A_254 : vector<16xf32>
    %mul3A_425 = arith.mulf %gather3A_254, %gather3A_258 : vector<16xf32>
    %add3A_426 = arith.addf %mul3A_424, %mul3A_425 : vector<16xf32>
    %mul3A_427 = arith.mulf %gather3A_250, %gather3A_258 : vector<16xf32>
    %add3A_428 = arith.addf %add3A_426, %mul3A_427 : vector<16xf32>
    %mul3A_429 = arith.constant 8.000000e+00 : f32
    %mul3A_430 = vector.broadcast %mul3A_429 : f32 to vector<16xf32>
    %mul3A_431 = arith.mulf %mul3A_430, %add3A_428 : vector<16xf32>
    %mul3A_432 = arith.constant 0.00666666683 : f32
    %mul3A_433 = vector.broadcast %mul3A_432 : f32 to vector<16xf32>
    %mul3A_434 = arith.mulf %mul3A_431, %mul3A_433 : vector<16xf32>
    %mul3A_435 = arith.mulf %mul3A_434, %gather3A_290 : vector<16xf32>
    %add3A_436 = arith.constant 0 : i32
    %add3A_437 = vector.broadcast %add3A_436 : i32 to vector<16xi32>
    %add3A_438 = arith.addi %mul3A_246, %add3A_437 : vector<16xi32>
    tpu.vector_store_idx %arg11[%add3A_438], %mul3A_377 : memref<320xf32, #tpu.memory_space<vmem>>[vector<16xi32>], vector<16xf32>,
    %add3A_439 = arith.constant 1 : i32
    %add3A_440 = vector.broadcast %add3A_439 : i32 to vector<16xi32>
    %add3A_441 = arith.addi %mul3A_246, %add3A_440 : vector<16xi32>
    tpu.vector_store_idx %arg11[%add3A_441], %mul3A_382 : memref<320xf32, #tpu.memory_space<vmem>>[vector<16xi32>], vector<16xf32>,
    %add3A_442 = arith.constant 2 : i32
    %add3A_443 = vector.broadcast %add3A_442 : i32 to vector<16xi32>
    %add3A_444 = arith.addi %mul3A_246, %add3A_443 : vector<16xi32>
    tpu.vector_store_idx %arg11[%add3A_444], %mul3A_387 : memref<320xf32, #tpu.memory_space<vmem>>[vector<16xi32>], vector<16xf32>,
    %add3A_445 = arith.constant 3 : i32
    %add3A_446 = vector.broadcast %add3A_445 : i32 to vector<16xi32>
    %add3A_447 = arith.addi %mul3A_246, %add3A_446 : vector<16xi32>
    tpu.vector_store_idx %arg11[%add3A_447], %mul3A_392 : memref<320xf32, #tpu.memory_space<vmem>>[vector<16xi32>], vector<16xf32>,
    %add3A_448 = arith.constant 4 : i32
    %add3A_449 = vector.broadcast %add3A_448 : i32 to vector<16xi32>
    %add3A_450 = arith.addi %mul3A_246, %add3A_449 : vector<16xi32>
    tpu.vector_store_idx %arg11[%add3A_450], %mul3A_400 : memref<320xf32, #tpu.memory_space<vmem>>[vector<16xi32>], vector<16xf32>,
    %add3A_451 = arith.constant 5 : i32
    %add3A_452 = vector.broadcast %add3A_451 : i32 to vector<16xi32>
    %add3A_453 = arith.addi %mul3A_246, %add3A_452 : vector<16xi32>
    tpu.vector_store_idx %arg11[%add3A_453], %mul3A_405 : memref<320xf32, #tpu.memory_space<vmem>>[vector<16xi32>], vector<16xf32>,
    %add3A_454 = arith.constant 6 : i32
    %add3A_455 = vector.broadcast %add3A_454 : i32 to vector<16xi32>
    %add3A_456 = arith.addi %mul3A_246, %add3A_455 : vector<16xi32>
    tpu.vector_store_idx %arg11[%add3A_456], %mul3A_410 : memref<320xf32, #tpu.memory_space<vmem>>[vector<16xi32>], vector<16xf32>,
    %add3A_457 = arith.constant 7 : i32
    %add3A_458 = vector.broadcast %add3A_457 : i32 to vector<16xi32>
    %add3A_459 = arith.addi %mul3A_246, %add3A_458 : vector<16xi32>
    tpu.vector_store_idx %arg11[%add3A_459], %mul3A_415 : memref<320xf32, #tpu.memory_space<vmem>>[vector<16xi32>], vector<16xf32>,
    %add3A_460 = arith.constant 8 : i32
    %add3A_461 = vector.broadcast %add3A_460 : i32 to vector<16xi32>
    %add3A_462 = arith.addi %mul3A_246, %add3A_461 : vector<16xi32>
    tpu.vector_store_idx %arg11[%add3A_462], %mul3A_423 : memref<320xf32, #tpu.memory_space<vmem>>[vector<16xi32>], vector<16xf32>,
    %add3A_463 = arith.constant 9 : i32
    %add3A_464 = vector.broadcast %add3A_463 : i32 to vector<16xi32>
    %add3A_465 = arith.addi %mul3A_246, %add3A_464 : vector<16xi32>
    tpu.vector_store_idx %arg11[%add3A_465], %gather3A_262 : memref<320xf32, #tpu.memory_space<vmem>>[vector<16xi32>], vector<16xf32>,
    %add3A_466 = arith.constant 10 : i32
    %add3A_467 = vector.broadcast %add3A_466 : i32 to vector<16xi32>
    %add3A_468 = arith.addi %mul3A_246, %add3A_467 : vector<16xi32>
    tpu.vector_store_idx %arg11[%add3A_468], %gather3A_266 : memref<320xf32, #tpu.memory_space<vmem>>[vector<16xi32>], vector<16xf32>,
    %add3A_469 = arith.constant 11 : i32
    %add3A_470 = vector.broadcast %add3A_469 : i32 to vector<16xi32>
    %add3A_471 = arith.addi %mul3A_246, %add3A_470 : vector<16xi32>
    tpu.vector_store_idx %arg11[%add3A_471], %gather3A_270 : memref<320xf32, #tpu.memory_space<vmem>>[vector<16xi32>], vector<16xf32>,
    %add3A_472 = arith.constant 12 : i32
    %add3A_473 = vector.broadcast %add3A_472 : i32 to vector<16xi32>
    %add3A_474 = arith.addi %mul3A_246, %add3A_473 : vector<16xi32>
    tpu.vector_store_idx %arg11[%add3A_474], %mul3A_435 : memref<320xf32, #tpu.memory_space<vmem>>[vector<16xi32>], vector<16xf32>,
    %add3A_475 = arith.constant 13 : i32
    %add3A_476 = vector.broadcast %add3A_475 : i32 to vector<16xi32>
    %add3A_477 = arith.addi %mul3A_246, %add3A_476 : vector<16xi32>
    tpu.vector_store_idx %arg11[%add3A_477], %gather3A_290 : memref<320xf32, #tpu.memory_space<vmem>>[vector<16xi32>], vector<16xf32>,
    %scan3A = arith.constant 0 : i32
    %scan3A_478 = arith.constant 0 : i32
    %scan3A_479 = arith.constant 94 : i32
    %scan3A_480 = arith.addi %scan3A_478, %scan3A_479 : i32
    %scan3A_481 = arith.constant 1 : i32
    scf.for %scan3A_520 = %scan3A_478 to %scan3A_480 step %scan3A_481  : i32 {
      %mul3A_521 = arith.constant 32 : i32
      %mul3A_522 = arith.muli %scan3A_520, %mul3A_521 : i32
      %add3A_523 = arith.constant 0 : i32
      %add3A_524 = arith.addi %mul3A_522, %add3A_523 : i32
      %add3A_525 = vector.broadcast %add3A_524 : i32 to vector<16xi32>
      %add3A_526 = arith.addi %add3A_525, %iota3A : vector<16xi32>
      %convert_element_type3A = arith.sitofp %add3A_526 : vector<16xi32> to vector<16xf32>
      %mul3A_527 = arith.constant 0.00666666683 : f32
      %mul3A_528 = vector.broadcast %mul3A_527 : f32 to vector<16xf32>
      %mul3A_529 = arith.mulf %convert_element_type3A, %mul3A_528 : vector<16xf32>
      %convert_element_type3A_530 = arith.fptosi %mul3A_529 : vector<16xf32> to vector<16xi32>
      %min3A_531 = arith.constant 19 : i32
      %min3A_532 = vector.broadcast %min3A_531 : i32 to vector<16xi32>
      %min3A_533 = arith.minsi %convert_element_type3A_530, %min3A_532 : vector<16xi32>
      %mul3A_534 = arith.constant 16 : i32
      %mul3A_535 = vector.broadcast %mul3A_534 : i32 to vector<16xi32>
      %mul3A_536 = arith.muli %min3A_533, %mul3A_535 : vector<16xi32>
      %get3A = arith.index_cast %add3A_524 : i32 to index
      %get3A_537 = tpu.vector_load %arg9[%get3A] {strides = array<i32>} : memref<9024xf32, #tpu.memory_space<vmem>>, vector<16xf32>,
      %add3A_538 = arith.constant 3008 : i32
      %add3A_539 = arith.addi %add3A_538, %add3A_524 : i32
      %get3A_540 = arith.index_cast %add3A_539 : i32 to index
      %get3A_541 = tpu.vector_load %arg9[%get3A_540] {strides = array<i32>} : memref<9024xf32, #tpu.memory_space<vmem>>, vector<16xf32>,
      %add3A_542 = arith.constant 6016 : i32
      %add3A_543 = arith.addi %add3A_542, %add3A_524 : i32
      %get3A_544 = arith.index_cast %add3A_543 : i32 to index
      %get3A_545 = tpu.vector_load %arg9[%get3A_544] {strides = array<i32>} : memref<9024xf32, #tpu.memory_space<vmem>>, vector<16xf32>,
      %add3A_546 = arith.constant 0 : i32
      %add3A_547 = vector.broadcast %add3A_546 : i32 to vector<16xi32>
      %add3A_548 = arith.addi %mul3A_536, %add3A_547 : vector<16xi32>
      %gather3A_549 = tpu.vector_load_idx %arg11[%add3A_548] : memref<320xf32, #tpu.memory_space<vmem>>[vector<16xi32>], vector<16xf32>,
      %mul3A_550 = arith.mulf %gather3A_549, %get3A_537 : vector<16xf32>
      %add3A_551 = arith.constant 1 : i32
      %add3A_552 = vector.broadcast %add3A_551 : i32 to vector<16xi32>
      %add3A_553 = arith.addi %mul3A_536, %add3A_552 : vector<16xi32>
      %gather3A_554 = tpu.vector_load_idx %arg11[%add3A_553] : memref<320xf32, #tpu.memory_space<vmem>>[vector<16xi32>], vector<16xf32>,
      %mul3A_555 = arith.mulf %gather3A_554, %get3A_541 : vector<16xf32>
      %add3A_556 = arith.addf %mul3A_550, %mul3A_555 : vector<16xf32>
      %add3A_557 = arith.constant 2 : i32
      %add3A_558 = vector.broadcast %add3A_557 : i32 to vector<16xi32>
      %add3A_559 = arith.addi %mul3A_536, %add3A_558 : vector<16xi32>
      %gather3A_560 = tpu.vector_load_idx %arg11[%add3A_559] : memref<320xf32, #tpu.memory_space<vmem>>[vector<16xi32>], vector<16xf32>,
      %mul3A_561 = arith.mulf %gather3A_560, %get3A_545 : vector<16xf32>
      %add3A_562 = arith.constant 9 : i32
      %add3A_563 = vector.broadcast %add3A_562 : i32 to vector<16xi32>
      %add3A_564 = arith.addi %mul3A_536, %add3A_563 : vector<16xi32>
      %gather3A_565 = tpu.vector_load_idx %arg11[%add3A_564] : memref<320xf32, #tpu.memory_space<vmem>>[vector<16xi32>], vector<16xf32>,
      %add3A_566 = arith.addf %mul3A_561, %gather3A_565 : vector<16xf32>
      %add3A_567 = arith.addf %add3A_556, %add3A_566 : vector<16xf32>
      %add3A_568 = arith.constant 3 : i32
      %add3A_569 = vector.broadcast %add3A_568 : i32 to vector<16xi32>
      %add3A_570 = arith.addi %mul3A_536, %add3A_569 : vector<16xi32>
      %gather3A_571 = tpu.vector_load_idx %arg11[%add3A_570] : memref<320xf32, #tpu.memory_space<vmem>>[vector<16xi32>], vector<16xf32>,
      %mul3A_572 = arith.mulf %gather3A_571, %get3A_537 : vector<16xf32>
      %add3A_573 = arith.constant 4 : i32
      %add3A_574 = vector.broadcast %add3A_573 : i32 to vector<16xi32>
      %add3A_575 = arith.addi %mul3A_536, %add3A_574 : vector<16xi32>
      %gather3A_576 = tpu.vector_load_idx %arg11[%add3A_575] : memref<320xf32, #tpu.memory_space<vmem>>[vector<16xi32>], vector<16xf32>,
      %mul3A_577 = arith.mulf %gather3A_576, %get3A_541 : vector<16xf32>
      %add3A_578 = arith.addf %mul3A_572, %mul3A_577 : vector<16xf32>
      %add3A_579 = arith.constant 5 : i32
      %add3A_580 = vector.broadcast %add3A_579 : i32 to vector<16xi32>
      %add3A_581 = arith.addi %mul3A_536, %add3A_580 : vector<16xi32>
      %gather3A_582 = tpu.vector_load_idx %arg11[%add3A_581] : memref<320xf32, #tpu.memory_space<vmem>>[vector<16xi32>], vector<16xf32>,
      %mul3A_583 = arith.mulf %gather3A_582, %get3A_545 : vector<16xf32>
      %add3A_584 = arith.constant 10 : i32
      %add3A_585 = vector.broadcast %add3A_584 : i32 to vector<16xi32>
      %add3A_586 = arith.addi %mul3A_536, %add3A_585 : vector<16xi32>
      %gather3A_587 = tpu.vector_load_idx %arg11[%add3A_586] : memref<320xf32, #tpu.memory_space<vmem>>[vector<16xi32>], vector<16xf32>,
      %add3A_588 = arith.addf %mul3A_583, %gather3A_587 : vector<16xf32>
      %add3A_589 = arith.addf %add3A_578, %add3A_588 : vector<16xf32>
      %add3A_590 = arith.constant 6 : i32
      %add3A_591 = vector.broadcast %add3A_590 : i32 to vector<16xi32>
      %add3A_592 = arith.addi %mul3A_536, %add3A_591 : vector<16xi32>
      %gather3A_593 = tpu.vector_load_idx %arg11[%add3A_592] : memref<320xf32, #tpu.memory_space<vmem>>[vector<16xi32>], vector<16xf32>,
      %mul3A_594 = arith.mulf %gather3A_593, %get3A_537 : vector<16xf32>
      %add3A_595 = arith.constant 7 : i32
      %add3A_596 = vector.broadcast %add3A_595 : i32 to vector<16xi32>
      %add3A_597 = arith.addi %mul3A_536, %add3A_596 : vector<16xi32>
      %gather3A_598 = tpu.vector_load_idx %arg11[%add3A_597] : memref<320xf32, #tpu.memory_space<vmem>>[vector<16xi32>], vector<16xf32>,
      %mul3A_599 = arith.mulf %gather3A_598, %get3A_541 : vector<16xf32>
      %add3A_600 = arith.addf %mul3A_594, %mul3A_599 : vector<16xf32>
      %add3A_601 = arith.constant 8 : i32
      %add3A_602 = vector.broadcast %add3A_601 : i32 to vector<16xi32>
      %add3A_603 = arith.addi %mul3A_536, %add3A_602 : vector<16xi32>
      %gather3A_604 = tpu.vector_load_idx %arg11[%add3A_603] : memref<320xf32, #tpu.memory_space<vmem>>[vector<16xi32>], vector<16xf32>,
      %mul3A_605 = arith.mulf %gather3A_604, %get3A_545 : vector<16xf32>
      %add3A_606 = arith.constant 11 : i32
      %add3A_607 = vector.broadcast %add3A_606 : i32 to vector<16xi32>
      %add3A_608 = arith.addi %mul3A_536, %add3A_607 : vector<16xi32>
      %gather3A_609 = tpu.vector_load_idx %arg11[%add3A_608] : memref<320xf32, #tpu.memory_space<vmem>>[vector<16xi32>], vector<16xf32>,
      %add3A_610 = arith.addf %mul3A_605, %gather3A_609 : vector<16xf32>
      %add3A_611 = arith.addf %add3A_600, %add3A_610 : vector<16xf32>
      %add3A_612 = arith.constant 5.000000e-01 : f32
      %add3A_613 = vector.broadcast %add3A_612 : f32 to vector<16xf32>
      %add3A_614 = arith.addf %add3A_567, %add3A_613 : vector<16xf32>
      %mul3A_615 = arith.constant 3.200000e+01 : f32
      %mul3A_616 = vector.broadcast %mul3A_615 : f32 to vector<16xf32>
      %mul3A_617 = arith.mulf %add3A_614, %mul3A_616 : vector<16xf32>
      %convert_element_type3A_618 = arith.fptosi %mul3A_617 : vector<16xf32> to vector<16xi32>
      %jit3A_619 = arith.constant 0 : i32
      %jit3A_620 = arith.constant 31 : i32
      %max3A = vector.broadcast %jit3A_619 : i32 to vector<16xi32>
      %max3A_621 = arith.maxsi %max3A, %convert_element_type3A_618 : vector<16xi32>
      %min3A_622 = vector.broadcast %jit3A_620 : i32 to vector<16xi32>
      %min3A_623 = arith.minsi %min3A_622, %max3A_621 : vector<16xi32>
      %mul3A_624 = arith.constant 3072 : i32
      %mul3A_625 = vector.broadcast %mul3A_624 : i32 to vector<16xi32>
      %mul3A_626 = arith.muli %min3A_623, %mul3A_625 : vector<16xi32>
      %add3A_627 = arith.constant 5.000000e-01 : f32
      %add3A_628 = vector.broadcast %add3A_627 : f32 to vector<16xf32>
      %add3A_629 = arith.addf %add3A_589, %add3A_628 : vector<16xf32>
      %mul3A_630 = arith.constant 3.200000e+01 : f32
      %mul3A_631 = vector.broadcast %mul3A_630 : f32 to vector<16xf32>
      %mul3A_632 = arith.mulf %add3A_629, %mul3A_631 : vector<16xf32>
      %convert_element_type3A_633 = arith.fptosi %mul3A_632 : vector<16xf32> to vector<16xi32>
      %jit3A_634 = arith.constant 0 : i32
      %jit3A_635 = arith.constant 31 : i32
      %max3A_636 = vector.broadcast %jit3A_634 : i32 to vector<16xi32>
      %max3A_637 = arith.maxsi %max3A_636, %convert_element_type3A_633 : vector<16xi32>
      %min3A_638 = vector.broadcast %jit3A_635 : i32 to vector<16xi32>
      %min3A_639 = arith.minsi %min3A_638, %max3A_637 : vector<16xi32>
      %mul3A_640 = arith.constant 32 : i32
      %mul3A_641 = vector.broadcast %mul3A_640 : i32 to vector<16xi32>
      %mul3A_642 = arith.muli %min3A_639, %mul3A_641 : vector<16xi32>
      %add3A_643 = arith.addi %mul3A_626, %mul3A_642 : vector<16xi32>
      %add3A_644 = arith.constant 5.000000e-01 : f32
      %add3A_645 = vector.broadcast %add3A_644 : f32 to vector<16xf32>
      %add3A_646 = arith.addf %add3A_611, %add3A_645 : vector<16xf32>
      %mul3A_647 = arith.constant 3.200000e+01 : f32
      %mul3A_648 = vector.broadcast %mul3A_647 : f32 to vector<16xf32>
      %mul3A_649 = arith.mulf %add3A_646, %mul3A_648 : vector<16xf32>
      %convert_element_type3A_650 = arith.fptosi %mul3A_649 : vector<16xf32> to vector<16xi32>
      %jit3A_651 = arith.constant 0 : i32
      %jit3A_652 = arith.constant 31 : i32
      %max3A_653 = vector.broadcast %jit3A_651 : i32 to vector<16xi32>
      %max3A_654 = arith.maxsi %max3A_653, %convert_element_type3A_650 : vector<16xi32>
      %min3A_655 = vector.broadcast %jit3A_652 : i32 to vector<16xi32>
      %min3A_656 = arith.minsi %min3A_655, %max3A_654 : vector<16xi32>
      %add3A_657 = arith.addi %add3A_643, %min3A_656 : vector<16xi32>
      %mul3A_658 = arith.constant 3 : i32
      %mul3A_659 = vector.broadcast %mul3A_658 : i32 to vector<16xi32>
      %mul3A_660 = arith.muli %add3A_526, %mul3A_659 : vector<16xi32>
      tpu.vector_store_idx %arg12[%mul3A_660], %add3A_567 : memref<9024xf32, #tpu.memory_space<vmem>>[vector<16xi32>], vector<16xf32>,
      %add3A_661 = arith.constant 1 : i32
      %add3A_662 = vector.broadcast %add3A_661 : i32 to vector<16xi32>
      %add3A_663 = arith.addi %mul3A_660, %add3A_662 : vector<16xi32>
      tpu.vector_store_idx %arg12[%add3A_663], %add3A_589 : memref<9024xf32, #tpu.memory_space<vmem>>[vector<16xi32>], vector<16xf32>,
      %add3A_664 = arith.constant 2 : i32
      %add3A_665 = vector.broadcast %add3A_664 : i32 to vector<16xi32>
      %add3A_666 = arith.addi %mul3A_660, %add3A_665 : vector<16xi32>
      tpu.vector_store_idx %arg12[%add3A_666], %add3A_611 : memref<9024xf32, #tpu.memory_space<vmem>>[vector<16xi32>], vector<16xf32>,
      %add3A_667 = arith.constant 12 : i32
      %add3A_668 = vector.broadcast %add3A_667 : i32 to vector<16xi32>
      %add3A_669 = arith.addi %mul3A_536, %add3A_668 : vector<16xi32>
      %gather3A_670 = tpu.vector_load_idx %arg11[%add3A_669] : memref<320xf32, #tpu.memory_space<vmem>>[vector<16xi32>], vector<16xf32>,
      %swap3A = arith.index_cast %add3A_524 : i32 to index
      %swap3A_671 = tpu.vector_load %arg13[%swap3A] {strides = array<i32>} : memref<3008xf32, #tpu.memory_space<vmem>>, vector<16xf32>,
      tpu.vector_store %arg13[%swap3A], %gather3A_670 {strides = array<i32>} : memref<3008xf32, #tpu.memory_space<vmem>>, vector<16xf32>,
      %bitcast3A_672 = vector.bitcast %add3A_657 : vector<16xi32> to vector<16xf32>
      tpu.vector_store_idx %arg9[%add3A_526], %bitcast3A_672 : memref<9024xf32, #tpu.memory_space<vmem>>[vector<16xi32>], vector<16xf32>,
      %mul3A_673 = arith.constant 32 : i32
      %mul3A_674 = arith.muli %scan3A_520, %mul3A_673 : i32
      %add3A_675 = arith.constant 16 : i32
      %add3A_676 = arith.addi %mul3A_674, %add3A_675 : i32
      %add3A_677 = vector.broadcast %add3A_676 : i32 to vector<16xi32>
      %add3A_678 = arith.addi %add3A_677, %iota3A : vector<16xi32>
      %convert_element_type3A_679 = arith.sitofp %add3A_678 : vector<16xi32> to vector<16xf32>
      %mul3A_680 = arith.constant 0.00666666683 : f32
      %mul3A_681 = vector.broadcast %mul3A_680 : f32 to vector<16xf32>
      %mul3A_682 = arith.mulf %convert_element_type3A_679, %mul3A_681 : vector<16xf32>
      %convert_element_type3A_683 = arith.fptosi %mul3A_682 : vector<16xf32> to vector<16xi32>
      %min3A_684 = arith.constant 19 : i32
      %min3A_685 = vector.broadcast %min3A_684 : i32 to vector<16xi32>
      %min3A_686 = arith.minsi %convert_element_type3A_683, %min3A_685 : vector<16xi32>
      %mul3A_687 = arith.constant 16 : i32
      %mul3A_688 = vector.broadcast %mul3A_687 : i32 to vector<16xi32>
      %mul3A_689 = arith.muli %min3A_686, %mul3A_688 : vector<16xi32>
      %get3A_690 = arith.index_cast %add3A_676 : i32 to index
      %get3A_691 = tpu.vector_load %arg9[%get3A_690] {strides = array<i32>} : memref<9024xf32, #tpu.memory_space<vmem>>, vector<16xf32>,
      %add3A_692 = arith.constant 3008 : i32
      %add3A_693 = arith.addi %add3A_692, %add3A_676 : i32
      %get3A_694 = arith.index_cast %add3A_693 : i32 to index
      %get3A_695 = tpu.vector_load %arg9[%get3A_694] {strides = array<i32>} : memref<9024xf32, #tpu.memory_space<vmem>>, vector<16xf32>,
      %add3A_696 = arith.constant 6016 : i32
      %add3A_697 = arith.addi %add3A_696, %add3A_676 : i32
      %get3A_698 = arith.index_cast %add3A_697 : i32 to index
      %get3A_699 = tpu.vector_load %arg9[%get3A_698] {strides = array<i32>} : memref<9024xf32, #tpu.memory_space<vmem>>, vector<16xf32>,
      %add3A_700 = arith.constant 0 : i32
      %add3A_701 = vector.broadcast %add3A_700 : i32 to vector<16xi32>
      %add3A_702 = arith.addi %mul3A_689, %add3A_701 : vector<16xi32>
      %gather3A_703 = tpu.vector_load_idx %arg11[%add3A_702] : memref<320xf32, #tpu.memory_space<vmem>>[vector<16xi32>], vector<16xf32>,
      %mul3A_704 = arith.mulf %gather3A_703, %get3A_691 : vector<16xf32>
      %add3A_705 = arith.constant 1 : i32
      %add3A_706 = vector.broadcast %add3A_705 : i32 to vector<16xi32>
      %add3A_707 = arith.addi %mul3A_689, %add3A_706 : vector<16xi32>
      %gather3A_708 = tpu.vector_load_idx %arg11[%add3A_707] : memref<320xf32, #tpu.memory_space<vmem>>[vector<16xi32>], vector<16xf32>,
      %mul3A_709 = arith.mulf %gather3A_708, %get3A_695 : vector<16xf32>
      %add3A_710 = arith.addf %mul3A_704, %mul3A_709 : vector<16xf32>
      %add3A_711 = arith.constant 2 : i32
      %add3A_712 = vector.broadcast %add3A_711 : i32 to vector<16xi32>
      %add3A_713 = arith.addi %mul3A_689, %add3A_712 : vector<16xi32>
      %gather3A_714 = tpu.vector_load_idx %arg11[%add3A_713] : memref<320xf32, #tpu.memory_space<vmem>>[vector<16xi32>], vector<16xf32>,
      %mul3A_715 = arith.mulf %gather3A_714, %get3A_699 : vector<16xf32>
      %add3A_716 = arith.constant 9 : i32
      %add3A_717 = vector.broadcast %add3A_716 : i32 to vector<16xi32>
      %add3A_718 = arith.addi %mul3A_689, %add3A_717 : vector<16xi32>
      %gather3A_719 = tpu.vector_load_idx %arg11[%add3A_718] : memref<320xf32, #tpu.memory_space<vmem>>[vector<16xi32>], vector<16xf32>,
      %add3A_720 = arith.addf %mul3A_715, %gather3A_719 : vector<16xf32>
      %add3A_721 = arith.addf %add3A_710, %add3A_720 : vector<16xf32>
      %add3A_722 = arith.constant 3 : i32
      %add3A_723 = vector.broadcast %add3A_722 : i32 to vector<16xi32>
      %add3A_724 = arith.addi %mul3A_689, %add3A_723 : vector<16xi32>
      %gather3A_725 = tpu.vector_load_idx %arg11[%add3A_724] : memref<320xf32, #tpu.memory_space<vmem>>[vector<16xi32>], vector<16xf32>,
      %mul3A_726 = arith.mulf %gather3A_725, %get3A_691 : vector<16xf32>
      %add3A_727 = arith.constant 4 : i32
      %add3A_728 = vector.broadcast %add3A_727 : i32 to vector<16xi32>
      %add3A_729 = arith.addi %mul3A_689, %add3A_728 : vector<16xi32>
      %gather3A_730 = tpu.vector_load_idx %arg11[%add3A_729] : memref<320xf32, #tpu.memory_space<vmem>>[vector<16xi32>], vector<16xf32>,
      %mul3A_731 = arith.mulf %gather3A_730, %get3A_695 : vector<16xf32>
      %add3A_732 = arith.addf %mul3A_726, %mul3A_731 : vector<16xf32>
      %add3A_733 = arith.constant 5 : i32
      %add3A_734 = vector.broadcast %add3A_733 : i32 to vector<16xi32>
      %add3A_735 = arith.addi %mul3A_689, %add3A_734 : vector<16xi32>
      %gather3A_736 = tpu.vector_load_idx %arg11[%add3A_735] : memref<320xf32, #tpu.memory_space<vmem>>[vector<16xi32>], vector<16xf32>,
      %mul3A_737 = arith.mulf %gather3A_736, %get3A_699 : vector<16xf32>
      %add3A_738 = arith.constant 10 : i32
      %add3A_739 = vector.broadcast %add3A_738 : i32 to vector<16xi32>
      %add3A_740 = arith.addi %mul3A_689, %add3A_739 : vector<16xi32>
      %gather3A_741 = tpu.vector_load_idx %arg11[%add3A_740] : memref<320xf32, #tpu.memory_space<vmem>>[vector<16xi32>], vector<16xf32>,
      %add3A_742 = arith.addf %mul3A_737, %gather3A_741 : vector<16xf32>
      %add3A_743 = arith.addf %add3A_732, %add3A_742 : vector<16xf32>
      %add3A_744 = arith.constant 6 : i32
      %add3A_745 = vector.broadcast %add3A_744 : i32 to vector<16xi32>
      %add3A_746 = arith.addi %mul3A_689, %add3A_745 : vector<16xi32>
      %gather3A_747 = tpu.vector_load_idx %arg11[%add3A_746] : memref<320xf32, #tpu.memory_space<vmem>>[vector<16xi32>], vector<16xf32>,
      %mul3A_748 = arith.mulf %gather3A_747, %get3A_691 : vector<16xf32>
      %add3A_749 = arith.constant 7 : i32
      %add3A_750 = vector.broadcast %add3A_749 : i32 to vector<16xi32>
      %add3A_751 = arith.addi %mul3A_689, %add3A_750 : vector<16xi32>
      %gather3A_752 = tpu.vector_load_idx %arg11[%add3A_751] : memref<320xf32, #tpu.memory_space<vmem>>[vector<16xi32>], vector<16xf32>,
      %mul3A_753 = arith.mulf %gather3A_752, %get3A_695 : vector<16xf32>
      %add3A_754 = arith.addf %mul3A_748, %mul3A_753 : vector<16xf32>
      %add3A_755 = arith.constant 8 : i32
      %add3A_756 = vector.broadcast %add3A_755 : i32 to vector<16xi32>
      %add3A_757 = arith.addi %mul3A_689, %add3A_756 : vector<16xi32>
      %gather3A_758 = tpu.vector_load_idx %arg11[%add3A_757] : memref<320xf32, #tpu.memory_space<vmem>>[vector<16xi32>], vector<16xf32>,
      %mul3A_759 = arith.mulf %gather3A_758, %get3A_699 : vector<16xf32>
      %add3A_760 = arith.constant 11 : i32
      %add3A_761 = vector.broadcast %add3A_760 : i32 to vector<16xi32>
      %add3A_762 = arith.addi %mul3A_689, %add3A_761 : vector<16xi32>
      %gather3A_763 = tpu.vector_load_idx %arg11[%add3A_762] : memref<320xf32, #tpu.memory_space<vmem>>[vector<16xi32>], vector<16xf32>,
      %add3A_764 = arith.addf %mul3A_759, %gather3A_763 : vector<16xf32>
      %add3A_765 = arith.addf %add3A_754, %add3A_764 : vector<16xf32>
      %add3A_766 = arith.constant 5.000000e-01 : f32
      %add3A_767 = vector.broadcast %add3A_766 : f32 to vector<16xf32>
      %add3A_768 = arith.addf %add3A_721, %add3A_767 : vector<16xf32>
      %mul3A_769 = arith.constant 3.200000e+01 : f32
      %mul3A_770 = vector.broadcast %mul3A_769 : f32 to vector<16xf32>
      %mul3A_771 = arith.mulf %add3A_768, %mul3A_770 : vector<16xf32>
      %convert_element_type3A_772 = arith.fptosi %mul3A_771 : vector<16xf32> to vector<16xi32>
      %jit3A_773 = arith.constant 0 : i32
      %jit3A_774 = arith.constant 31 : i32
      %max3A_775 = vector.broadcast %jit3A_773 : i32 to vector<16xi32>
      %max3A_776 = arith.maxsi %max3A_775, %convert_element_type3A_772 : vector<16xi32>
      %min3A_777 = vector.broadcast %jit3A_774 : i32 to vector<16xi32>
      %min3A_778 = arith.minsi %min3A_777, %max3A_776 : vector<16xi32>
      %mul3A_779 = arith.constant 3072 : i32
      %mul3A_780 = vector.broadcast %mul3A_779 : i32 to vector<16xi32>
      %mul3A_781 = arith.muli %min3A_778, %mul3A_780 : vector<16xi32>
      %add3A_782 = arith.constant 5.000000e-01 : f32
      %add3A_783 = vector.broadcast %add3A_782 : f32 to vector<16xf32>
      %add3A_784 = arith.addf %add3A_743, %add3A_783 : vector<16xf32>
      %mul3A_785 = arith.constant 3.200000e+01 : f32
      %mul3A_786 = vector.broadcast %mul3A_785 : f32 to vector<16xf32>
      %mul3A_787 = arith.mulf %add3A_784, %mul3A_786 : vector<16xf32>
      %convert_element_type3A_788 = arith.fptosi %mul3A_787 : vector<16xf32> to vector<16xi32>
      %jit3A_789 = arith.constant 0 : i32
      %jit3A_790 = arith.constant 31 : i32
      %max3A_791 = vector.broadcast %jit3A_789 : i32 to vector<16xi32>
      %max3A_792 = arith.maxsi %max3A_791, %convert_element_type3A_788 : vector<16xi32>
      %min3A_793 = vector.broadcast %jit3A_790 : i32 to vector<16xi32>
      %min3A_794 = arith.minsi %min3A_793, %max3A_792 : vector<16xi32>
      %mul3A_795 = arith.constant 32 : i32
      %mul3A_796 = vector.broadcast %mul3A_795 : i32 to vector<16xi32>
      %mul3A_797 = arith.muli %min3A_794, %mul3A_796 : vector<16xi32>
      %add3A_798 = arith.addi %mul3A_781, %mul3A_797 : vector<16xi32>
      %add3A_799 = arith.constant 5.000000e-01 : f32
      %add3A_800 = vector.broadcast %add3A_799 : f32 to vector<16xf32>
      %add3A_801 = arith.addf %add3A_765, %add3A_800 : vector<16xf32>
      %mul3A_802 = arith.constant 3.200000e+01 : f32
      %mul3A_803 = vector.broadcast %mul3A_802 : f32 to vector<16xf32>
      %mul3A_804 = arith.mulf %add3A_801, %mul3A_803 : vector<16xf32>
      %convert_element_type3A_805 = arith.fptosi %mul3A_804 : vector<16xf32> to vector<16xi32>
      %jit3A_806 = arith.constant 0 : i32
      %jit3A_807 = arith.constant 31 : i32
      %max3A_808 = vector.broadcast %jit3A_806 : i32 to vector<16xi32>
      %max3A_809 = arith.maxsi %max3A_808, %convert_element_type3A_805 : vector<16xi32>
      %min3A_810 = vector.broadcast %jit3A_807 : i32 to vector<16xi32>
      %min3A_811 = arith.minsi %min3A_810, %max3A_809 : vector<16xi32>
      %add3A_812 = arith.addi %add3A_798, %min3A_811 : vector<16xi32>
      %mul3A_813 = arith.constant 3 : i32
      %mul3A_814 = vector.broadcast %mul3A_813 : i32 to vector<16xi32>
      %mul3A_815 = arith.muli %add3A_678, %mul3A_814 : vector<16xi32>
      tpu.vector_store_idx %arg12[%mul3A_815], %add3A_721 : memref<9024xf32, #tpu.memory_space<vmem>>[vector<16xi32>], vector<16xf32>,
      %add3A_816 = arith.constant 1 : i32
      %add3A_817 = vector.broadcast %add3A_816 : i32 to vector<16xi32>
      %add3A_818 = arith.addi %mul3A_815, %add3A_817 : vector<16xi32>
      tpu.vector_store_idx %arg12[%add3A_818], %add3A_743 : memref<9024xf32, #tpu.memory_space<vmem>>[vector<16xi32>], vector<16xf32>,
      %add3A_819 = arith.constant 2 : i32
      %add3A_820 = vector.broadcast %add3A_819 : i32 to vector<16xi32>
      %add3A_821 = arith.addi %mul3A_815, %add3A_820 : vector<16xi32>
      tpu.vector_store_idx %arg12[%add3A_821], %add3A_765 : memref<9024xf32, #tpu.memory_space<vmem>>[vector<16xi32>], vector<16xf32>,
      %add3A_822 = arith.constant 12 : i32
      %add3A_823 = vector.broadcast %add3A_822 : i32 to vector<16xi32>
      %add3A_824 = arith.addi %mul3A_689, %add3A_823 : vector<16xi32>
      %gather3A_825 = tpu.vector_load_idx %arg11[%add3A_824] : memref<320xf32, #tpu.memory_space<vmem>>[vector<16xi32>], vector<16xf32>,
      %swap3A_826 = arith.index_cast %add3A_676 : i32 to index
      %swap3A_827 = tpu.vector_load %arg13[%swap3A_826] {strides = array<i32>} : memref<3008xf32, #tpu.memory_space<vmem>>, vector<16xf32>,
      tpu.vector_store %arg13[%swap3A_826], %gather3A_825 {strides = array<i32>} : memref<3008xf32, #tpu.memory_space<vmem>>, vector<16xf32>,
      %bitcast3A_828 = vector.bitcast %add3A_812 : vector<16xi32> to vector<16xf32>
      tpu.vector_store_idx %arg9[%add3A_678], %bitcast3A_828 : memref<9024xf32, #tpu.memory_space<vmem>>[vector<16xi32>], vector<16xf32>,
    }
    %scan3A_482 = arith.constant 94 : i32
    %dma_wait3A = arith.constant 0 : i32
    %dma_wait3A_483 = arith.constant 0 : i32
    %dma_wait3A_484 = tpu.memref_slice %arg3[%add3A, %dma_wait3A, %dma_wait3A_483] : memref<32x768x128xf32, #tpu.memory_space<hbm>> -> memref<1x768x128xf32, #tpu.memory_space<hbm>>
    %dma_wait3A_485 = tpu.memref_squeeze %dma_wait3A_484 : memref<1x768x128xf32, #tpu.memory_space<hbm>> -> memref<768x128xf32, #tpu.memory_space<hbm>>
    %dma_wait3A_486 = arith.constant 0 : i32
    %dma_wait3A_487 = arith.constant 0 : i32
    %dma_wait3A_488 = tpu.memref_slice %arg3[%add3A, %dma_wait3A_486, %dma_wait3A_487] : memref<32x768x128xf32, #tpu.memory_space<hbm>> -> memref<1x768x128xf32, #tpu.memory_space<hbm>>
    %dma_wait3A_489 = tpu.memref_squeeze %dma_wait3A_488 : memref<1x768x128xf32, #tpu.memory_space<hbm>> -> memref<768x128xf32, #tpu.memory_space<hbm>>
    tpu.wait_dma2 semaphore(%arg15 : memref<!tpu.dma_semaphore, #tpu.memory_space<semaphore_mem>>) src(%dma_wait3A_489 : memref<768x128xf32, #tpu.memory_space<hbm>>) dst(%arg8 : memref<768x128xf32, #tpu.memory_space<vmem>>)
    %dma_start3A_490 = arith.constant 0 : i32
    %dma_start3A_491 = tpu.memref_slice %arg5[%add3A, %dma_start3A_490] : memref<32x9024xf32, #tpu.memory_space<hbm>> -> memref<1x9024xf32, #tpu.memory_space<hbm>>
    %dma_start3A_492 = tpu.memref_squeeze %dma_start3A_491 : memref<1x9024xf32, #tpu.memory_space<hbm>> -> memref<9024xf32, #tpu.memory_space<hbm>>
    %dma_start3A_493 = arith.constant 0 : i32
    %dma_start3A_494 = tpu.memref_slice %arg5[%add3A, %dma_start3A_493] : memref<32x9024xf32, #tpu.memory_space<hbm>> -> memref<1x9024xf32, #tpu.memory_space<hbm>>
    %dma_start3A_495 = tpu.memref_squeeze %dma_start3A_494 : memref<1x9024xf32, #tpu.memory_space<hbm>> -> memref<9024xf32, #tpu.memory_space<hbm>>
    tpu.enqueue_dma source(%arg12 : memref<9024xf32, #tpu.memory_space<vmem>>) target(%dma_start3A_495 : memref<9024xf32, #tpu.memory_space<hbm>>) target_semaphore(%arg16 : memref<!tpu.dma_semaphore, #tpu.memory_space<semaphore_mem>>)
    %dma_start3A_496 = arith.constant 0 : i32
    %dma_start3A_497 = tpu.memref_slice %arg6[%add3A, %dma_start3A_496] : memref<32x3008xf32, #tpu.memory_space<hbm>> -> memref<1x3008xf32, #tpu.memory_space<hbm>>
    %dma_start3A_498 = tpu.memref_squeeze %dma_start3A_497 : memref<1x3008xf32, #tpu.memory_space<hbm>> -> memref<3008xf32, #tpu.memory_space<hbm>>
    %dma_start3A_499 = arith.constant 0 : i32
    %dma_start3A_500 = tpu.memref_slice %arg6[%add3A, %dma_start3A_499] : memref<32x3008xf32, #tpu.memory_space<hbm>> -> memref<1x3008xf32, #tpu.memory_space<hbm>>
    %dma_start3A_501 = tpu.memref_squeeze %dma_start3A_500 : memref<1x3008xf32, #tpu.memory_space<hbm>> -> memref<3008xf32, #tpu.memory_space<hbm>>
    tpu.enqueue_dma source(%arg13 : memref<3008xf32, #tpu.memory_space<vmem>>) target(%dma_start3A_501 : memref<3008xf32, #tpu.memory_space<hbm>>) target_semaphore(%arg16 : memref<!tpu.dma_semaphore, #tpu.memory_space<semaphore_mem>>)
    %scan3A_502 = arith.constant 0 : i32
    %scan3A_503 = arith.constant 0 : i32
    %scan3A_504 = arith.constant 94 : i32
    %scan3A_505 = arith.addi %scan3A_503, %scan3A_504 : i32
    %scan3A_506 = arith.constant 1 : i32
    scf.for %scan3A_520 = %scan3A_503 to %scan3A_505 step %scan3A_506  : i32 {
      %mul3A_521 = arith.constant 32 : i32
      %mul3A_522 = arith.muli %scan3A_520, %mul3A_521 : i32
      %add3A_523 = arith.constant 0 : i32
      %add3A_524 = arith.addi %mul3A_522, %add3A_523 : i32
      %add3A_525 = vector.broadcast %add3A_524 : i32 to vector<16xi32>
      %add3A_526 = arith.addi %add3A_525, %iota3A : vector<16xi32>
      %convert_element_type3A = arith.sitofp %add3A_526 : vector<16xi32> to vector<16xf32>
      %mul3A_527 = arith.constant 0.00666666683 : f32
      %mul3A_528 = vector.broadcast %mul3A_527 : f32 to vector<16xf32>
      %mul3A_529 = arith.mulf %convert_element_type3A, %mul3A_528 : vector<16xf32>
      %convert_element_type3A_530 = arith.fptosi %mul3A_529 : vector<16xf32> to vector<16xi32>
      %min3A_531 = arith.constant 19 : i32
      %min3A_532 = vector.broadcast %min3A_531 : i32 to vector<16xi32>
      %min3A_533 = arith.minsi %convert_element_type3A_530, %min3A_532 : vector<16xi32>
      %mul3A_534 = arith.constant 16 : i32
      %mul3A_535 = vector.broadcast %mul3A_534 : i32 to vector<16xi32>
      %mul3A_536 = arith.muli %min3A_533, %mul3A_535 : vector<16xi32>
      %add3A_537 = arith.constant 13 : i32
      %add3A_538 = vector.broadcast %add3A_537 : i32 to vector<16xi32>
      %add3A_539 = arith.addi %mul3A_536, %add3A_538 : vector<16xi32>
      %gather3A_540 = tpu.vector_load_idx %arg11[%add3A_539] : memref<320xf32, #tpu.memory_space<vmem>>[vector<16xi32>], vector<16xf32>,
      %get3A = arith.index_cast %add3A_524 : i32 to index
      %get3A_541 = tpu.vector_load %arg9[%get3A] {strides = array<i32>} : memref<9024xf32, #tpu.memory_space<vmem>>, vector<16xf32>,
      %bitcast3A_542 = vector.bitcast %get3A_541 : vector<16xf32> to vector<16xi32>
      %broadcast_in_dim3A_543 = arith.constant 7 : i32
      %broadcast_in_dim3A_544 = vector.broadcast %broadcast_in_dim3A_543 : i32 to vector<16xi32>
      %shift_right_logical3A_545 = arith.shrui %bitcast3A_542, %broadcast_in_dim3A_544 : vector<16xi32>
      %and3A = arith.constant 127 : i32
      %and3A_546 = vector.broadcast %and3A : i32 to vector<16xi32>
      %and3A_547 = arith.andi %bitcast3A_542, %and3A_546 : vector<16xi32>
      %gather3A_548 = tpu.vector_load_idx %arg8[%shift_right_logical3A_545, %and3A_547] : memref<768x128xf32, #tpu.memory_space<vmem>>[vector<16xi32>, vector<16xi32>], vector<16xf32>,
      %add3A_549 = arith.constant 8 : i32
      %add3A_550 = vector.broadcast %add3A_549 : i32 to vector<16xi32>
      %add3A_551 = arith.addi %shift_right_logical3A_545, %add3A_550 : vector<16xi32>
      %gather3A_552 = tpu.vector_load_idx %arg8[%add3A_551, %and3A_547] : memref<768x128xf32, #tpu.memory_space<vmem>>[vector<16xi32>, vector<16xi32>], vector<16xf32>,
      %add3A_553 = arith.constant 16 : i32
      %add3A_554 = vector.broadcast %add3A_553 : i32 to vector<16xi32>
      %add3A_555 = arith.addi %shift_right_logical3A_545, %add3A_554 : vector<16xi32>
      %gather3A_556 = tpu.vector_load_idx %arg8[%add3A_555, %and3A_547] : memref<768x128xf32, #tpu.memory_space<vmem>>[vector<16xi32>, vector<16xi32>], vector<16xf32>,
      %mul3A_557 = arith.constant 3 : i32
      %mul3A_558 = vector.broadcast %mul3A_557 : i32 to vector<16xi32>
      %mul3A_559 = arith.muli %add3A_526, %mul3A_558 : vector<16xi32>
      %gather3A_560 = tpu.vector_load_idx %arg12[%mul3A_559] : memref<9024xf32, #tpu.memory_space<vmem>>[vector<16xi32>], vector<16xf32>,
      %add3A_561 = arith.constant 1 : i32
      %add3A_562 = vector.broadcast %add3A_561 : i32 to vector<16xi32>
      %add3A_563 = arith.addi %mul3A_559, %add3A_562 : vector<16xi32>
      %gather3A_564 = tpu.vector_load_idx %arg12[%add3A_563] : memref<9024xf32, #tpu.memory_space<vmem>>[vector<16xi32>], vector<16xf32>,
      %add3A_565 = arith.constant 2 : i32
      %add3A_566 = vector.broadcast %add3A_565 : i32 to vector<16xi32>
      %add3A_567 = arith.addi %mul3A_559, %add3A_566 : vector<16xi32>
      %gather3A_568 = tpu.vector_load_idx %arg12[%add3A_567] : memref<9024xf32, #tpu.memory_space<vmem>>[vector<16xi32>], vector<16xf32>,
      %gt3A_569 = arith.constant 5.000000e-01 : f32
      %gt3A_570 = vector.broadcast %gt3A_569 : f32 to vector<16xf32>
      %gt3A_571 = arith.cmpf ogt, %gather3A_540, %gt3A_570 : vector<16xf32>
      %select_n3A_572 = arith.select %gt3A_571, %gather3A_548, %gather3A_560 : vector<16xi1>, vector<16xf32>
      tpu.vector_store_idx %arg14[%mul3A_559], %select_n3A_572 : memref<9024xf32, #tpu.memory_space<vmem>>[vector<16xi32>], vector<16xf32>,
      %add3A_573 = arith.constant 1 : i32
      %add3A_574 = vector.broadcast %add3A_573 : i32 to vector<16xi32>
      %add3A_575 = arith.addi %mul3A_559, %add3A_574 : vector<16xi32>
      %select_n3A_576 = arith.select %gt3A_571, %gather3A_552, %gather3A_564 : vector<16xi1>, vector<16xf32>
      tpu.vector_store_idx %arg14[%add3A_575], %select_n3A_576 : memref<9024xf32, #tpu.memory_space<vmem>>[vector<16xi32>], vector<16xf32>,
      %add3A_577 = arith.constant 2 : i32
      %add3A_578 = vector.broadcast %add3A_577 : i32 to vector<16xi32>
      %add3A_579 = arith.addi %mul3A_559, %add3A_578 : vector<16xi32>
      %select_n3A_580 = arith.select %gt3A_571, %gather3A_556, %gather3A_568 : vector<16xi1>, vector<16xf32>
      tpu.vector_store_idx %arg14[%add3A_579], %select_n3A_580 : memref<9024xf32, #tpu.memory_space<vmem>>[vector<16xi32>], vector<16xf32>,
      %mul3A_581 = arith.constant 32 : i32
      %mul3A_582 = arith.muli %scan3A_520, %mul3A_581 : i32
      %add3A_583 = arith.constant 16 : i32
      %add3A_584 = arith.addi %mul3A_582, %add3A_583 : i32
      %add3A_585 = vector.broadcast %add3A_584 : i32 to vector<16xi32>
      %add3A_586 = arith.addi %add3A_585, %iota3A : vector<16xi32>
      %convert_element_type3A_587 = arith.sitofp %add3A_586 : vector<16xi32> to vector<16xf32>
      %mul3A_588 = arith.constant 0.00666666683 : f32
      %mul3A_589 = vector.broadcast %mul3A_588 : f32 to vector<16xf32>
      %mul3A_590 = arith.mulf %convert_element_type3A_587, %mul3A_589 : vector<16xf32>
      %convert_element_type3A_591 = arith.fptosi %mul3A_590 : vector<16xf32> to vector<16xi32>
      %min3A_592 = arith.constant 19 : i32
      %min3A_593 = vector.broadcast %min3A_592 : i32 to vector<16xi32>
      %min3A_594 = arith.minsi %convert_element_type3A_591, %min3A_593 : vector<16xi32>
      %mul3A_595 = arith.constant 16 : i32
      %mul3A_596 = vector.broadcast %mul3A_595 : i32 to vector<16xi32>
      %mul3A_597 = arith.muli %min3A_594, %mul3A_596 : vector<16xi32>
      %add3A_598 = arith.constant 13 : i32
      %add3A_599 = vector.broadcast %add3A_598 : i32 to vector<16xi32>
      %add3A_600 = arith.addi %mul3A_597, %add3A_599 : vector<16xi32>
      %gather3A_601 = tpu.vector_load_idx %arg11[%add3A_600] : memref<320xf32, #tpu.memory_space<vmem>>[vector<16xi32>], vector<16xf32>,
      %get3A_602 = arith.index_cast %add3A_584 : i32 to index
      %get3A_603 = tpu.vector_load %arg9[%get3A_602] {strides = array<i32>} : memref<9024xf32, #tpu.memory_space<vmem>>, vector<16xf32>,
      %bitcast3A_604 = vector.bitcast %get3A_603 : vector<16xf32> to vector<16xi32>
      %broadcast_in_dim3A_605 = arith.constant 7 : i32
      %broadcast_in_dim3A_606 = vector.broadcast %broadcast_in_dim3A_605 : i32 to vector<16xi32>
      %shift_right_logical3A_607 = arith.shrui %bitcast3A_604, %broadcast_in_dim3A_606 : vector<16xi32>
      %and3A_608 = arith.constant 127 : i32
      %and3A_609 = vector.broadcast %and3A_608 : i32 to vector<16xi32>
      %and3A_610 = arith.andi %bitcast3A_604, %and3A_609 : vector<16xi32>
      %gather3A_611 = tpu.vector_load_idx %arg8[%shift_right_logical3A_607, %and3A_610] : memref<768x128xf32, #tpu.memory_space<vmem>>[vector<16xi32>, vector<16xi32>], vector<16xf32>,
      %add3A_612 = arith.constant 8 : i32
      %add3A_613 = vector.broadcast %add3A_612 : i32 to vector<16xi32>
      %add3A_614 = arith.addi %shift_right_logical3A_607, %add3A_613 : vector<16xi32>
      %gather3A_615 = tpu.vector_load_idx %arg8[%add3A_614, %and3A_610] : memref<768x128xf32, #tpu.memory_space<vmem>>[vector<16xi32>, vector<16xi32>], vector<16xf32>,
      %add3A_616 = arith.constant 16 : i32
      %add3A_617 = vector.broadcast %add3A_616 : i32 to vector<16xi32>
      %add3A_618 = arith.addi %shift_right_logical3A_607, %add3A_617 : vector<16xi32>
      %gather3A_619 = tpu.vector_load_idx %arg8[%add3A_618, %and3A_610] : memref<768x128xf32, #tpu.memory_space<vmem>>[vector<16xi32>, vector<16xi32>], vector<16xf32>,
      %mul3A_620 = arith.constant 3 : i32
      %mul3A_621 = vector.broadcast %mul3A_620 : i32 to vector<16xi32>
      %mul3A_622 = arith.muli %add3A_586, %mul3A_621 : vector<16xi32>
      %gather3A_623 = tpu.vector_load_idx %arg12[%mul3A_622] : memref<9024xf32, #tpu.memory_space<vmem>>[vector<16xi32>], vector<16xf32>,
      %add3A_624 = arith.constant 1 : i32
      %add3A_625 = vector.broadcast %add3A_624 : i32 to vector<16xi32>
      %add3A_626 = arith.addi %mul3A_622, %add3A_625 : vector<16xi32>
      %gather3A_627 = tpu.vector_load_idx %arg12[%add3A_626] : memref<9024xf32, #tpu.memory_space<vmem>>[vector<16xi32>], vector<16xf32>,
      %add3A_628 = arith.constant 2 : i32
      %add3A_629 = vector.broadcast %add3A_628 : i32 to vector<16xi32>
      %add3A_630 = arith.addi %mul3A_622, %add3A_629 : vector<16xi32>
      %gather3A_631 = tpu.vector_load_idx %arg12[%add3A_630] : memref<9024xf32, #tpu.memory_space<vmem>>[vector<16xi32>], vector<16xf32>,
      %gt3A_632 = arith.constant 5.000000e-01 : f32
      %gt3A_633 = vector.broadcast %gt3A_632 : f32 to vector<16xf32>
      %gt3A_634 = arith.cmpf ogt, %gather3A_601, %gt3A_633 : vector<16xf32>
      %select_n3A_635 = arith.select %gt3A_634, %gather3A_611, %gather3A_623 : vector<16xi1>, vector<16xf32>
      tpu.vector_store_idx %arg14[%mul3A_622], %select_n3A_635 : memref<9024xf32, #tpu.memory_space<vmem>>[vector<16xi32>], vector<16xf32>,
      %add3A_636 = arith.constant 1 : i32
      %add3A_637 = vector.broadcast %add3A_636 : i32 to vector<16xi32>
      %add3A_638 = arith.addi %mul3A_622, %add3A_637 : vector<16xi32>
      %select_n3A_639 = arith.select %gt3A_634, %gather3A_615, %gather3A_627 : vector<16xi1>, vector<16xf32>
      tpu.vector_store_idx %arg14[%add3A_638], %select_n3A_639 : memref<9024xf32, #tpu.memory_space<vmem>>[vector<16xi32>], vector<16xf32>,
      %add3A_640 = arith.constant 2 : i32
      %add3A_641 = vector.broadcast %add3A_640 : i32 to vector<16xi32>
      %add3A_642 = arith.addi %mul3A_622, %add3A_641 : vector<16xi32>
      %select_n3A_643 = arith.select %gt3A_634, %gather3A_619, %gather3A_631 : vector<16xi1>, vector<16xf32>
      tpu.vector_store_idx %arg14[%add3A_642], %select_n3A_643 : memref<9024xf32, #tpu.memory_space<vmem>>[vector<16xi32>], vector<16xf32>,
    }
    %scan3A_507 = arith.constant 94 : i32
    "tpu.region"() ({
      %run_scoped3A = tpu.sem_alloc : memref<!tpu.dma_semaphore, #tpu.memory_space<semaphore_mem>>
      %dma_start3A_520 = arith.constant 0 : i32
      %dma_start3A_521 = tpu.memref_slice %arg7[%add3A, %dma_start3A_520] : memref<32x9024xf32, #tpu.memory_space<hbm>> -> memref<1x9024xf32, #tpu.memory_space<hbm>>
      %dma_start3A_522 = tpu.memref_squeeze %dma_start3A_521 : memref<1x9024xf32, #tpu.memory_space<hbm>> -> memref<9024xf32, #tpu.memory_space<hbm>>
      %dma_start3A_523 = arith.constant 0 : i32
      %dma_start3A_524 = tpu.memref_slice %arg7[%add3A, %dma_start3A_523] : memref<32x9024xf32, #tpu.memory_space<hbm>> -> memref<1x9024xf32, #tpu.memory_space<hbm>>
      %dma_start3A_525 = tpu.memref_squeeze %dma_start3A_524 : memref<1x9024xf32, #tpu.memory_space<hbm>> -> memref<9024xf32, #tpu.memory_space<hbm>>
      tpu.enqueue_dma source(%arg14 : memref<9024xf32, #tpu.memory_space<vmem>>) target(%dma_start3A_525 : memref<9024xf32, #tpu.memory_space<hbm>>) target_semaphore(%run_scoped3A : memref<!tpu.dma_semaphore, #tpu.memory_space<semaphore_mem>>)
      %dma_wait3A_526 = arith.constant 0 : i32
      %dma_wait3A_527 = tpu.memref_slice %arg7[%add3A, %dma_wait3A_526] : memref<32x9024xf32, #tpu.memory_space<hbm>> -> memref<1x9024xf32, #tpu.memory_space<hbm>>
      %dma_wait3A_528 = tpu.memref_squeeze %dma_wait3A_527 : memref<1x9024xf32, #tpu.memory_space<hbm>> -> memref<9024xf32, #tpu.memory_space<hbm>>
      %dma_wait3A_529 = arith.constant 0 : i32
      %dma_wait3A_530 = tpu.memref_slice %arg7[%add3A, %dma_wait3A_529] : memref<32x9024xf32, #tpu.memory_space<hbm>> -> memref<1x9024xf32, #tpu.memory_space<hbm>>
      %dma_wait3A_531 = tpu.memref_squeeze %dma_wait3A_530 : memref<1x9024xf32, #tpu.memory_space<hbm>> -> memref<9024xf32, #tpu.memory_space<hbm>>
      tpu.wait_dma2 semaphore(%run_scoped3A : memref<!tpu.dma_semaphore, #tpu.memory_space<semaphore_mem>>) src(%arg14 : memref<9024xf32, #tpu.memory_space<vmem>>) dst(%dma_wait3A_531 : memref<9024xf32, #tpu.memory_space<hbm>>)
      tpu.yield
    }) : () -> ()
    %dma_wait3A_508 = arith.constant 0 : i32
    %dma_wait3A_509 = tpu.memref_slice %arg5[%add3A, %dma_wait3A_508] : memref<32x9024xf32, #tpu.memory_space<hbm>> -> memref<1x9024xf32, #tpu.memory_space<hbm>>
    %dma_wait3A_510 = tpu.memref_squeeze %dma_wait3A_509 : memref<1x9024xf32, #tpu.memory_space<hbm>> -> memref<9024xf32, #tpu.memory_space<hbm>>
    %dma_wait3A_511 = arith.constant 0 : i32
    %dma_wait3A_512 = tpu.memref_slice %arg5[%add3A, %dma_wait3A_511] : memref<32x9024xf32, #tpu.memory_space<hbm>> -> memref<1x9024xf32, #tpu.memory_space<hbm>>
    %dma_wait3A_513 = tpu.memref_squeeze %dma_wait3A_512 : memref<1x9024xf32, #tpu.memory_space<hbm>> -> memref<9024xf32, #tpu.memory_space<hbm>>
    tpu.wait_dma2 semaphore(%arg16 : memref<!tpu.dma_semaphore, #tpu.memory_space<semaphore_mem>>) src(%arg12 : memref<9024xf32, #tpu.memory_space<vmem>>) dst(%dma_wait3A_513 : memref<9024xf32, #tpu.memory_space<hbm>>)
    %dma_wait3A_514 = arith.constant 0 : i32
    %dma_wait3A_515 = tpu.memref_slice %arg6[%add3A, %dma_wait3A_514] : memref<32x3008xf32, #tpu.memory_space<hbm>> -> memref<1x3008xf32, #tpu.memory_space<hbm>>
    %dma_wait3A_516 = tpu.memref_squeeze %dma_wait3A_515 : memref<1x3008xf32, #tpu.memory_space<hbm>> -> memref<3008xf32, #tpu.memory_space<hbm>>
    %dma_wait3A_517 = arith.constant 0 : i32
    %dma_wait3A_518 = tpu.memref_slice %arg6[%add3A, %dma_wait3A_517] : memref<32x3008xf32, #tpu.memory_space<hbm>> -> memref<1x3008xf32, #tpu.memory_space<hbm>>
    %dma_wait3A_519 = tpu.memref_squeeze %dma_wait3A_518 : memref<1x3008xf32, #tpu.memory_space<hbm>> -> memref<3008xf32, #tpu.memory_space<hbm>>
    tpu.wait_dma2 semaphore(%arg16 : memref<!tpu.dma_semaphore, #tpu.memory_space<semaphore_mem>>) src(%arg13 : memref<3008xf32, #tpu.memory_space<vmem>>) dst(%dma_wait3A_519 : memref<3008xf32, #tpu.memory_space<hbm>>)
    return
  }
}

</mosaic_0001>

<sc_bundles>
// kernel: kernel.3.cloned.1.call-start
scs
__scs_entry_jumppad:
0x0: {  	(pc) =	sbr.rel $0x88, $3  }
0x1: {  	(tag) =	ssettag $0x0;
	lr =	simm.s32 $0x1  }
0x2: {  	[smem:$0x3F9C] =	sst lr;
	_ =	strace $0xD0000000  }
0x3: {  	_ = 	snop  }
0x4: {  	_ = 	snop  }
0x5: {  	_ = 	snop  }
0x6: {  	_ = 	snop  }
0x7: {  	_ = 	snop  }
__scs_overlays_trampoline_lowered:
0x8: {  	[smem:$0x3FAB] =	sst s0  }
0x9: {  	[smem:$0x3FAC] =	sst s1  }
0xa: {  	[smem:$0x3FAD] =	sst s2  }
0xb: {  	[smem:$0x3FAE] =	sst s3  }
0xc: {  	[smem:$0x3FAF] =	sst s4  }
0xd: {  	[smem:$0x3FB0] =	sst s5  }
0xe: {  	[smem:$0x3FB1] =	sst s6  }
0xf: {  	[smem:$0x3FB2] =	sst s7  }
0x10: {  	[smem:$0x3FB3] =	sst s8  }
0x11: {  	[smem:$0x3FB4] =	sst s9;
	s0 =	simm.s32 @!p0 $0x0  }
0x12: {  	s1 =	sld [smem:$0x3F9A];
	s0 =	simm.s32 @p0 $0x1  }
0x13: {  	[smem:$0x3FB5] =	sst s0;
	s0 =	simm.s32 @!p1 $0x0  }
0x14: {  	s2 =	sld [smem:$0x3F99];
	s0 =	simm.s32 @p1 $0x1  }
0x15: {  	[smem:$0x3FB6] =	sst s0;
	s0 =	simm.s32 @!p2 $0x0  }
0x16: {  	s3 =	sld [smem:$0x3FDB];
	s0 =	simm.s32 @p2 $0x1  }
0x17: {  	s4 =	simm.s32 $0x1BF5;
	[smem:$0x3FB8] =	sst s0  }
0x18: {  	s0 =	sld [smem:$0x3F9B];
	_ =	swait.ge [sflag:s4], $0x0  }
0x19: {  	s7 =	sld [smem:$0x3F9C]  }
0x1a: {  	s8 =	sadd.s32 $0xFFFFE003, lr  }
0x1b: {  	s9 =	sadd.s32 $0xFFFFFEF7, lr;
	s5 =	simm.s32 $0xFFFFFFFF;
	p2 =	slt.u32 s8, $0xFFFFF086  }
0x1c: {  	p1 =	slt.u32 s9, $0xF7A;
	s5 =	simm.s32 @!p2 $0x0  }
0x1d: {  	s5 =	simm.s32 @p1 $0x1;
	p0 =	seq.s32 s7, s2  }
0x1e: {  	s7 =	smul.u32 @!p0 $0xF7A, s2;
	p2 =	seq.s32 @!p0 s5, $0x0  }
0x1f: {  	s9 =	smul.u32 $0xF7A, s1;
	s8 =	simm.s32 @!p0 $0x1BF5;
	p2 =	por !p2, p0  }
0x20: {  	[sflag:s8] =	ssyncset.s32 @!p0 $0xFFFFF086;
	s6 =	sadd.s32 @!p0 s3, s7;
	s7 =	simm.s32 @!p0 $0x108  }
0x21: {  	s3 =	sadd.s32 s3, s9;
	s6 =	sadd.s32 @!p0 $0x88, s6;
	s7 =	simm.s32 @p2 $0x1082  }
0x22: {  	[simem:s7], [sflag:s8] =	dma.local @!p0 [hbm:s6], $0xF7A  }
0x23: {  	s9 =	sor.u32 $0xD0000000, s2;
	s6 =	simm.s32 $0x108;
	_ =	swait.ge @!p0 [sflag:s8], $0x0  }
0x24: {  	s3 =	sadd.s32 $0x88, s3;
	s6 =	simm.s32 @!p1 $0x1082;
	[sflag:s4] =	ssyncset.s32 $0xFFFFF086  }
0x25: {  	[simem:s6], [sflag:s4] =	dma.local [hbm:s3], $0xF7A  }
0x26: {  	[smem:$0x3F9C] =	sst s1;
	(tag) =	ssettag s2;
	_ =	strace s9  }
0x27: {  	s1 =	sld [smem:$0x3FAC]  }
0x28: {  	s2 =	sld [smem:$0x3FAD]  }
0x29: {  	s4 =	sld [smem:$0x3FAF]  }
0x2a: {  	p0 =	seq.s32 s5, $0x0;
	s5 =	sld [smem:$0x3FB0]  }
0x2b: {  	s6 =	sld [smem:$0x3FB1]  }
0x2c: {  	s7 =	sld [smem:$0x3FB2]  }
0x2d: {  	s3 =	simm.s32 $0x108;
	s8 =	sld [smem:$0x3FB3]  }
0x2e: {  	s3 =	simm.s32 @!p0 $0x1082;
	s9 =	sld [smem:$0x3FB4]  }
0x2f: {  	lr =	sadd.s32 s0, s3;
	s0 =	sld [smem:$0x3FAB]  }
0x30: {  	s3 =	sld [smem:$0x3FAE]  }
0x31: {  	[smem:$0x3FB7] =	sst s10  }
0x32: {  	s10 =	sld [smem:$0x3FB5];
	_ =	sdelay $0x3  }
0x33: {  	p0 =	seq.s32 s10, $0x1;
	s10 =	sld [smem:$0x3FB7];
	_ =	sdelay $0x3  }
0x34: {  	[smem:$0x3FB7] =	sst s10  }
0x35: {  	s10 =	sld [smem:$0x3FB6];
	_ =	sdelay $0x3  }
0x36: {  	p1 =	seq.s32 s10, $0x1;
	s10 =	sld [smem:$0x3FB7];
	_ =	sdelay $0x3  }
0x37: {  	[smem:$0x3FB7] =	sst s10  }
0x38: {  	s10 =	sld [smem:$0x3FB8]  }
0x39: {  	_ = 	snop;
	(pc) =	sbr.ind lr, $3  }
0x3a: {  	_ = 	snop  }
0x3b: {  	_ = 	snop  }
0x3c: {  	p2 =	seq.s32 s10, $0x1;
	s10 =	sld [smem:$0x3FB7]  }
0x3d: {  	_ =	shalt  }
0x3e: {  	_ =	shalt  }
0x3f: {  	_ =	shalt  }
0x40: {  	_ =	shalt  }
0x41: {  	_ =	shalt  }
0x42: {  	_ =	shalt  }
0x43: {  	_ =	shalt  }
0x44: {  	_ =	shalt  }
0x45: {  	_ =	shalt  }
0x46: {  	_ =	shalt  }
0x47: {  	_ =	shalt  }
0x48: {  	_ =	shalt  }
0x49: {  	_ =	shalt  }
0x4a: {  	_ =	shalt  }
0x4b: {  	_ =	shalt  }
0x4c: {  	_ =	shalt  }
0x4d: {  	_ =	shalt  }
0x4e: {  	_ =	shalt  }
0x4f: {  	_ =	shalt  }
0x50: {  	_ =	shalt  }
0x51: {  	_ =	shalt  }
0x52: {  	_ =	shalt  }
0x53: {  	_ =	shalt  }
0x54: {  	_ =	shalt  }
0x55: {  	_ =	shalt  }
0x56: {  	_ =	shalt  }
0x57: {  	_ =	shalt  }
0x58: {  	_ =	shalt  }
0x59: {  	_ =	shalt  }
0x5a: {  	_ =	shalt  }
0x5b: {  	_ =	shalt  }
0x5c: {  	_ =	shalt  }
0x5d: {  	_ =	shalt  }
0x5e: {  	_ =	shalt  }
0x5f: {  	_ =	shalt  }
0x60: {  	_ =	shalt  }
0x61: {  	_ =	shalt  }
0x62: {  	_ =	shalt  }
0x63: {  	_ =	shalt  }
0x64: {  	_ =	shalt  }
0x65: {  	_ =	shalt  }
0x66: {  	_ =	shalt  }
0x67: {  	_ =	shalt  }
0x68: {  	_ =	shalt  }
0x69: {  	_ =	shalt  }
0x6a: {  	_ =	shalt  }
0x6b: {  	_ =	shalt  }
0x6c: {  	_ =	shalt  }
0x6d: {  	_ =	shalt  }
0x6e: {  	_ =	shalt  }
0x6f: {  	_ =	shalt  }
0x70: {  	_ =	shalt  }
0x71: {  	_ =	shalt  }
0x72: {  	_ =	shalt  }
0x73: {  	_ =	shalt  }
0x74: {  	_ =	shalt  }
0x75: {  	_ =	shalt  }
0x76: {  	_ =	shalt  }
0x77: {  	_ =	shalt  }
0x78: {  	_ =	shalt  }
0x79: {  	_ =	shalt  }
0x7a: {  	_ =	shalt  }
0x7b: {  	_ =	shalt  }
0x7c: {  	_ =	shalt  }
0x7d: {  	_ =	shalt  }
0x7e: {  	_ =	shalt  }
0x7f: {  	_ =	shalt  }
0x80: {  	_ =	shalt  }
0x81: {  	_ =	shalt  }
0x82: {  	_ =	shalt  }
0x83: {  	_ =	shalt  }
0x84: {  	_ =	shalt  }
0x85: {  	_ =	shalt  }
0x86: {  	_ =	shalt  }
0x87: {  	_ =	shalt  }
.Lfunc_end0:
.L_simem_size_0:
called_computation_lowered:
.L_overlay_start_0:
0x88: {  	s2 =	sld [smem:$0x3FD9]  }
0x89: {  	s3 =	sld [smem:$0x3FFE];
	_ =	sdelay $0x1  }
0x8a: {  	s1 =	srdreg.scid  }
0x8b: {  	s0 =	sand.u32 $0x1, s1  }
0x8c: {  	s14 =	sshll.u32 s0, $0xA;
	s2 =	sadd.s32 s3, s2  }
0x8d: {  	s2 =	sadd.s32 s2, s14  }
0x8e: {  	[smem:$0x3FC3] =	sst s2  }
0x8f: {  	_ = 	snop  }
0x90: {  	s2 =	sld [smem:$0x3FD0];
	_ =	sdelay $0x2  }
0x91: {  	s15 =	simm.s32 $0xA;
	s4 =	simm.s32 $0x10  }
0x92: {  	[smem:s4], [sflag:s15] =	dma.local [hbm:s2], $0x1  }
0x93: {  	_ =	swait.eq [sflag:s15], $0x1  }
0x94: {  	s16 =	sld [smem:$0x10];
	[sflag:s15] =	ssyncset.done $0x0  }
0x95: {  	s17 =	sld [smem:$0x11];
	[sflag:s15] =	ssyncadd.s32 $0xFFFFFFFF  }
0x96: {  	s18 =	sld [smem:$0x12];
	(tm) =	ssettm $0x1  }
0x97: {  	s5 =	sld [smem:$0x3FFB];
	_ =	sdelay $0x3  }
0x98: {  	_ =	strace s5  }
0x99: {  	s5 =	sld [smem:$0x3FFC];
	_ =	sdelay $0x3  }
0x9a: {  	_ =	strace s5  }
0x9b: {  	s5 =	sld [smem:$0x3FFD];
	_ =	sdelay $0x3  }
0x9c: {  	_ =	strace s5  }
0x9d: {  	_ =	strace $0x8FFFFFFF  }
0x9e: {  	s19 =	sld [smem:$0x3FDB];
	_ =	sdelay $0x1  }
0x9f: {  	s6 =	simm.s32 $_scs_section_size  }
0xa0: {  	s7 =	simm.s32 $_size__tile_overlayer_lowered;
	s8 =	simm.s32 $_tile_overlayer_lowered  }
0xa1: {  	s22 =	simm.s32 $0x1BFF;
	s21 =	sshll.u32 s8, $0x1;
	s5 =	sadd.s32 s6, s19  }
0xa2: {  	s9 =	simm.s32 $0x0;
	s20 =	sshll.u32 s7, $0x1;
	s7 =	sadd.s32 s21, s5  }
0xa3: {  	[timem:s9], [sflag:s22] =	dma.local [hbm:s7], s20  }
0xa4: {  	_ =	swait.ge [sflag:s22], s20  }
0xa5: {  	s6 =	ssub.s32 $0x0, s20;
	[sflag:s22] =	ssyncset.done $0x0  }
0xa6: {  	[sflag:s22] =	ssyncadd.s32 s6;
	_ =	sdelay $0x1  }
0xa7: {  	s23 =	simm.s32 $0x1B8B  }
0xa8: {  	_ =	swait.ge [sflag:s23], $0x1  }
0xa9: {  	[sflag:s23] =	ssyncset.done $0x0  }
0xaa: {  	s25 =	simm.s32 $0x1B8E;
	s24 =	sld [smem:$0x3FFE];
	[sflag:s23] =	ssyncadd.s32 $0xFFFFFFFF  }
0xab: {  	s26 =	simm.s32 $execute0_lowered;
	[smem:$0x3FD2] =	sst s25  }
0xac: {  	s7 =	sshll.u32 s26, $0x1;
	_ =	strace $0x80000046;
	[dreg:$0x1] =	wrdreg $0xFFFFFFFF  }
0xad: {  	s28 =	simm.s32 $_size_execute0_lowered;
	s5 =	sadd.s32 s5, s7;
	[dreg:$0x0] =	wrdreg $0x0  }
0xae: {  	s7 =	sshll.u32 s28, $0x1;
	[dreg:$0x2] =	wrdreg s5  }
0xaf: {  	[dreg:$0x3] =	wrdreg s7  }
0xb0: {  	[dreg:$0x4] =	wrdreg $0xC0  }
0xb1: {  	_ =	task [dreg:s9], $0x5FFFF  }
0xb2: {  	[dreg:$0x1] =	wrdreg $0xFFFFFFFF  }
0xb3: {  	[dreg:$0x0] =	wrdreg $0x60  }
0xb4: {  	[dreg:$0x2] =	wrdreg s18  }
0xb5: {  	[dreg:$0x3] =	wrdreg s24  }
0xb6: {  	[dreg:$0x4] =	wrdreg s16  }
0xb7: {  	[dreg:$0x5] =	wrdreg s17  }
0xb8: {  	[dreg:$0x6] =	wrdreg $0x9  }
0xb9: {  	_ =	task.clear_ibuf [dreg:s9], $0x7FFFF;
	_ =	strace $0x90000046  }
0xba: {  	s29 =	simm.s32 $0x9;
	_ =	strace $0x80000048  }
0xbb: {  	_ =	swait.ge [sflag:s29], $0x1  }
0xbc: {  	[sflag:s29] =	ssyncadd.s32 $0xFFFFFFFF  }
0xbd: {  	_ =	strace $0x90000048  }
0xbe: {  	_ =	sfence  }
0xbf: {  	s30 =	sld [smem:$0x0];
	_ =	sdelay $0x2  }
0xc0: {  	s31 =	sshll.u32 s1, $0xD;
	s1 =	sshrl.u32 s1, $0x2  }
0xc1: {  	s3 =	sand.u32 $0x4000, s31;
	s1 =	sadd.s32 s1, s30  }
0xc2: {  	s0 =	sor.u32 s3, s0;
	s1 =	sshll.u32 s1, $0x11  }
0xc3: {  	s0 =	sor.u32 s1, s0  }
0xc4: {  	s0 =	sadd.s32 $0x8F2B, s0  }
0xc5: {  	[sflag:s0] =	ssyncadd.remote.s32 $0x1  }
0xc6: {  	_ =	sfence.sel $0xFFFF  }
0xc7: {  	[dreg:$0x0] =	wrdreg $0xFFFFFFFF;
	(pc) =	sbr.abs _section_cstart, $3  }
0xc8: {  	[dreg:$0x1] =	wrdreg $0xFFFFFFFF  }
0xc9: {  	_ =	task.clear_ibuf [dreg:s9], $0x2FFFF;
	_ =	strace $0x9FFFFFFF  }
0xca: {  	(tm) =	ssettm $0x7FFFFFFF  }
0xcb: {  	_ =	shalt  }
tec
execute0_lowered:
.L_overlay_start_1:
0x0: {  	(tag) =	ssettag $0x1  }
0x1: {  	v0 =	vlaneseq.u32;
	v14 =	vimm.s32 $0x130  }
0x2: {  	vm1 =	vcmask $0x300;
	v15 =	vimm.s32 $0x131;
	vm2 =	vcmask $0x704  }
0x3: {  	vm0 =	vcmask $0xB08;
	v18 =	vimm.s32 $0x133;
	v19 =	vimm.s32 $0x134  }
0x4: {  	v20 =	vimm.s32 $0x135;
	v21 =	vimm.s32 $0x136;
	v22 =	vimm.s32 $0x137  }
0x5: {  	v23 =	vimm.s32 $0x138;
	v24 =	vimm.s32 $0x139;
	v25 =	vimm.s32 $0x13A  }
0x6: {  	v26 =	vimm.s32 $0x13B;
	v27 =	vimm.s32 $0x13C;
	v28 =	vimm.s32 $0x13D  }
0x7: {  	s4 =	rddreg [dreg:$0x0];
	v1 =	vmul.u32 $0x10, v0;
	v14 =	vsel vm1, $0x100, v14;
	v15 =	vsel vm1, $0x101, v15  }
0x8: {  	s3 =	rddreg [dreg:$0x1];
	v18 =	vsel vm1, $0x103, v18;
	v19 =	vsel vm1, $0x104, v19;
	v20 =	vsel vm1, $0x105, v20  }
0x9: {  	s1 =	srdreg.scid;
	s6 =	rddreg [dreg:$0x2];
	v21 =	vsel vm1, $0x106, v21;
	v22 =	vsel vm1, $0x107, v22;
	v23 =	vsel vm1, $0x108, v23  }
0xa: {  	s0 =	stileid.u32;
	s7 =	rddreg [dreg:$0x3];
	v24 =	vsel vm1, $0x109, v24;
	v25 =	vsel vm1, $0x10A, v25;
	v26 =	vsel vm1, $0x10B, v26  }
0xb: {  	s2 =	simm.s32 $0x0;
	s15 =	simm.s32 $0x1A500;
	s16 =	simm.s32 $0x1A680;
	v27 =	vsel vm1, $0x10C, v27;
	v28 =	vsel vm1, $0x10D, v28;
	v16 =	vsel vm2, $0x110, v14  }
0xc: {  	s17 =	simm.s32 $0x1;
	s18 =	simm.s32 $0x1CA00;
	s19 =	simm.s32 $0x1D600;
	v17 =	vsel vm2, $0x111, v15;
	v18 =	vsel vm2, $0x113, v18;
	v19 =	vsel vm2, $0x114, v19  }
0xd: {  	s20 =	simm.s32 $0x2;
	s21 =	simm.s32 $0x0;
	s5 =	sand.u32 $0x1, s1;
	v20 =	vsel vm2, $0x115, v20;
	v21 =	vsel vm2, $0x116, v21;
	v22 =	vsel vm2, $0x117, v22  }
0xe: {  	s31 =	sshll.u32 s0, $0x1;
	s1 =	rddreg [dreg:$0x4];
	s10 =	sshrl.u32 s0, $0x2;
	v23 =	vsel vm2, $0x118, v23;
	v24 =	vsel vm2, $0x119, v24;
	v25 =	vsel vm2, $0x11A, v25  }
0xf: {  	[smem:$0x7FF] =	sst s2;
	s8 =	sor.u32 s5, s31;
	s11 =	smul.u32 $0xC00, s10;
	v26 =	vsel vm2, $0x11B, v26;
	v27 =	vsel vm2, $0x11C, v27;
	v28 =	vsel vm2, $0x11D, v28  }
0x10: {  	s12 =	smul.u32 $0x11C00, s10;
	_ =	strace $0x80000047;
	s5 =	ssub.s32 $0x2, s5;
	v2 =	vor.u32 $0x1, v1;
	v3 =	vor.u32 $0x2, v1;
	v4 =	vor.u32 $0x3, v1  }
0x11: {  	v5 =	vor.u32 $0x4, v1;
	v6 =	vor.u32 $0x5, v1;
	v7 =	vor.u32 $0x6, v1;
	s9 =	smul.u32 $0x3000, s8;
	s8 =	sshll.u32 s8, $0x7;
	s13 =	sshrl.u32 s5, $0x1  }
0x12: {  	s10 =	smul.u32 $0x6000, s10;
	v8 =	vor.u32 $0x7, v1;
	v9 =	vor.u32 $0x8, v1;
	v10 =	vor.u32 $0x9, v1;
	s8 =	sand.u32 $0x380, s8;
	s13 =	ssub.s32 s5, s13  }
0x13: {  	v11 =	vor.u32 $0xA, v1;
	v12 =	vor.u32 $0xB, v1;
	v13 =	vor.u32 $0xC, v1;
	s9 =	sadd.s32 s9, s3;
	s11 =	sor.u32 s11, s8;
	s12 =	sor.u32 s12, s8  }
0x14: {  	v14 =	vor.u32 $0xD, v1;
	v15 =	vsel vm0, $0x120, v16;
	v16 =	vsel vm0, $0x121, v17;
	s8 =	sor.u32 s10, s8;
	s10 =	simm.s32 $0x80;
	s11 =	sshrl.u32 s11, $0x3  }
0x15: {  	v17 =	vimm.s32 $0x132;
	v18 =	vsel vm0, $0x123, v18;
	v19 =	vsel vm0, $0x124, v19;
	s12 =	sshrl.u32 s12, $0x3;
	s8 =	sshrl.u32 s8, $0x3;
	s11 =	sadd.s32 s11, s3  }
0x16: {  	v20 =	vsel vm0, $0x125, v20;
	v21 =	vsel vm0, $0x126, v21;
	v22 =	vsel vm0, $0x127, v22;
	s14 =	sadd.s32 s12, s3;
	s3 =	sadd.s32 $0x1200, s9;
	s4 =	sadd.s32 s4, s12  }
0x17: {  	v23 =	vsel vm0, $0x128, v23;
	v24 =	vsel vm0, $0x129, v24;
	v17 =	vsel vm1, $0x102, v17;
	s6 =	sadd.s32 s6, s12;
	s7 =	sadd.s32 s7, s8;
	s9 =	smax.u32 s13, $0x1  }
0x18: {  	v25 =	vsel vm0, $0x12A, v25;
	v26 =	vsel vm0, $0x12B, v26;
	v17 =	vsel vm2, $0x112, v17;
	s12 =	simm.s32 $0x18000;
	s13 =	simm.s32 $0x3;
	s5 =	sadd.s32 $0xC00, s11  }
0x19: {  	v27 =	vsel vm0, $0x12C, v27;
	v28 =	vsel vm0, $0x12D, v28;
	v17 =	vsel vm0, $0x122, v17;
	s8 =	sadd.s32 $0x61200, s14;
	s11 =	simm.s32 $0x400;
	s14 =	simm.s32 $0x1A380  }
.LBB2_1:
0x1a: {  	[tilespmem:s2], [sflag:$0x1] =	stream.linear.gather [hbm4b:s3+s2], $0x18000, $0x38;
	[tilespmem:$0x1F980] =	vst v63  }
0x1b: {  	_ = 	snop  }
0x1c: {  	[tilespmem:s12], [sflag:$0x3] =	stream.strided.gather [hbm4b:s4+s10], $0x2380, s11, s10, $0x38;
	[tilespmem:$0x1F980] =	vst v63  }
0x1d: {  	_ =	swait.ge [sflag:s13], $0x2380  }
0x1e: {  	[sflag:s13] =	ssyncset.done $0x0  }
0x1f: {  	[sflag:s13] =	ssyncadd.s32 $0xFFFFDC80  }
0x20: {  	[tilespmem:s14], [sflag:$0x3] =	stream.strided.gather [hbm4b:s5+s10], $0x180, s11, s10, $0x38;
	[tilespmem:$0x1F980] =	vst v63  }
0x21: {  	_ =	swait.ge [sflag:s13], $0x180  }
0x22: {  	[sflag:s13] =	ssyncset.done $0x0  }
0x23: {  	[sflag:s13] =	ssyncadd.s32 $0xFFFFFE80  }
0x24: {  	v29 =	vld.idx.msk [tilespmem:v7+s14+$0x0], $0xffff  }
0x25: {  	v30 =	vld.idx.msk [tilespmem:v8+s14+$0x0], $0xffff;
	_ =	sdelay $0x1  }
0x26: {  	v31 =	vld.idx.msk [tilespmem:v9+s14+$0x0], $0xffff;
	_ =	sdelay $0x1  }
0x27: {  	v32 =	vld.idx.msk [tilespmem:v10+s14+$0x0], $0xffff  }
0x28: {  	v33 =	vmul.f32 v29, v29;
	v34 =	vmul.f32 v30, v30;
	_ =	sdelay $0x1  }
0x29: {  	v51 =	vmul.f32 v31, v31;
	v33 =	vadd.f32 v34, v33;
	_ =	sdelay $0x1  }
0x2a: {  	v52 =	vmul.f32 v32, v32;
	v33 =	vadd.f32 v51, v33;
	_ =	sdelay $0x1  }
0x2b: {  	v33 =	vadd.f32 v52, v33;
	_ =	sdelay $0x1  }
0x2c: {  	v34 =	vshrl.u32 v33, $0x1;
	v35 =	vmul.f32 $5.000000000e-01, v33  }
0x2d: {  	v34 =	vsub.s32 $0x5F3759DF, v34  }
0x2e: {  	v36 =	vmul.f32 v34, v35;
	_ =	sdelay $0x1  }
0x2f: {  	v36 =	vmul.f32 v34, v36;
	_ =	sdelay $0x1  }
0x30: {  	v36 =	vsub.f32 $1.500000000e+00, v36;
	_ =	sdelay $0x1  }
0x31: {  	v34 =	vmul.f32 v34, v36;
	_ =	sdelay $0x1  }
0x32: {  	v36 =	vmul.f32 v34, v35;
	_ =	sdelay $0x1  }
0x33: {  	v36 =	vmul.f32 v36, v34;
	_ =	sdelay $0x1  }
0x34: {  	v36 =	vsub.f32 $1.500000000e+00, v36;
	_ =	sdelay $0x1  }
0x35: {  	v34 =	vmul.f32 v36, v34;
	_ =	sdelay $0x1  }
0x36: {  	v35 =	vmul.f32 v34, v35;
	_ =	sdelay $0x1  }
0x37: {  	v35 =	vmul.f32 v35, v34;
	_ =	sdelay $0x1  }
0x38: {  	v35 =	vsub.f32 $1.500000000e+00, v35;
	_ =	sdelay $0x1  }
0x39: {  	v34 =	vmul.f32 v35, v34;
	_ =	sdelay $0x1  }
0x3a: {  	v34 =	vmul.f32 v34, v33;
	_ =	sdelay $0x1  }
0x3b: {  	vm0 =	vgt.f32 v34, $0.0e+00  }
0x3c: {  	v53 =	vnsel vm0, $0x3F800000, v34  }
0x3d: {  	(erf) = vrcp.f32 v53;
	_ =	sdelay $0x8  }
0x3e: {  	v35 =	vpop (erf)  }
0x3f: {  	v35 =	vmul.f32 v35, v33;
	_ =	sdelay $0x1  }
0x40: {  	v34 =	vadd.f32 v35, v34;
	_ =	sdelay $0x1  }
0x41: {  	v34 =	vmul.f32 $5.000000000e-01, v34;
	_ =	sdelay $0x1  }
0x42: {  	v34 =	vadd.f32 $9.999999930e-09, v34  }
0x43: {  	vm9 =	vgt.f32 v33, $1.000000020e-35  }
0x44: {  	v33 =	vnsel vm9, $0x322BCC77, v34  }
0x45: {  	(erf) = vrcp.f32 v33;
	_ =	sdelay $0x8  }
0x46: {  	v33 =	vpop (erf)  }
0x47: {  	v31 =	vmul.f32 v33, v31  }
0x48: {  	v32 =	vmul.f32 v33, v32;
	v30 =	vmul.f32 v33, v30  }
0x49: {  	v29 =	vmul.f32 v33, v29;
	v54 =	vmul.f32 v31, v31  }
0x4a: {  	v39 =	vld.idx.msk [tilespmem:v1+s14+$0x0], $0xffff;
	v55 =	vmul.f32 v32, v32;
	v57 =	vmul.f32 v30, v30  }
0x4b: {  	v42 =	vld.idx.msk [tilespmem:v2+s14+$0x0], $0xffff;
	v37 =	vmul.f32 v31, v30;
	v38 =	vmul.f32 v32, v29  }
0x4c: {  	v44 =	vld.idx.msk [tilespmem:v3+s14+$0x0], $0xffff;
	v40 =	vmul.f32 v32, v30;
	v41 =	vmul.f32 v31, v29  }
0x4d: {  	v31 =	vmul.f32 v32, v31;
	v56 =	vadd.f32 v55, v54;
	v43 =	vsub.f32 v37, v38  }
0x4e: {  	v29 =	vmul.f32 v30, v29;
	v58 =	vadd.f32 v41, v40;
	v35 =	vadd.f32 v55, v57  }
0x4f: {  	v37 =	vadd.f32 v38, v37;
	v33 =	vadd.f32 v56, v56  }
0x50: {  	v62 =	vmul.f32 v42, v39;
	v60 =	vsub.f32 v31, v29;
	v40 =	vsub.f32 v40, v41  }
0x51: {  	v59 =	vld.idx.msk [tilespmem:v4+s14+$0x0], $0xffff;
	v47 =	vmul.f32 v44, v42;
	v34 =	vadd.f32 v54, v57;
	v33 =	vsub.f32 $1.000000000e+00, v33  }
0x52: {  	v45 =	vld.idx.msk [tilespmem:v5+s14+$0x0], $0xffff;
	v63 =	vmul.f32 v44, v39;
	v29 =	vadd.f32 v29, v31;
	v30 =	vadd.f32 v43, v43  }
0x53: {  	v61 =	vld.idx.msk [tilespmem:v6+s14+$0x0], $0xffff;
	v32 =	vadd.f32 v58, v58;
	v35 =	vadd.f32 v35, v35;
	v33 =	vmul.f32 v33, v39  }
0x54: {  	v46 =	vld.idx.msk [tilespmem:v11+s14+$0x0], $0xffff;
	v37 =	vadd.f32 v37, v37;
	v43 =	vadd.f32 v60, v60;
	v30 =	vmul.f32 v30, v42  }
0x55: {  	v40 =	vadd.f32 v40, v40;
	v35 =	vsub.f32 $1.000000000e+00, v35;
	v32 =	vmul.f32 v32, v44;
	[tilespmem:v1+s15+$0x0] =	vst.idx.msk $0xffff, v33  }
0x56: {  	v31 =	vadd.f32 v34, v34;
	v37 =	vmul.f32 v37, v39;
	[tilespmem:v2+s15+$0x0] =	vst.idx.msk $0xffff, v30  }
0x57: {  	v35 =	vmul.f32 v35, v42;
	v30 =	vadd.f32 v47, v62;
	[tilespmem:v3+s15+$0x0] =	vst.idx.msk $0xffff, v32  }
0x58: {  	v29 =	vadd.f32 v29, v29;
	v36 =	vmul.f32 v43, v44;
	[tilespmem:v4+s15+$0x0] =	vst.idx.msk $0xffff, v37  }
0x59: {  	v43 =	vmul.f32 v40, v39;
	v31 =	vsub.f32 $1.000000000e+00, v31;
	v30 =	vadd.f32 v30, v63;
	[tilespmem:v5+s15+$0x0] =	vst.idx.msk $0xffff, v35  }
0x5a: {  	v29 =	vmul.f32 v29, v42;
	[tilespmem:v6+s15+$0x0] =	vst.idx.msk $0xffff, v36  }
0x5b: {  	v31 =	vmul.f32 v31, v44;
	v30 =	vmul.f32 $8.000000000e+00, v30;
	[tilespmem:v7+s15+$0x0] =	vst.idx.msk $0xffff, v43  }
0x5c: {  	[tilespmem:v8+s15+$0x0] =	vst.idx.msk $0xffff, v29  }
0x5d: {  	v29 =	vmul.f32 $6.666666830e-03, v30;
	[tilespmem:v9+s15+$0x0] =	vst.idx.msk $0xffff, v31  }
0x5e: {  	[tilespmem:v10+s15+$0x0] =	vst.idx.msk $0xffff, v59  }
0x5f: {  	v29 =	vmul.f32 v46, v29;
	[tilespmem:v11+s15+$0x0] =	vst.idx.msk $0xffff, v45  }
0x60: {  	[tilespmem:v12+s15+$0x0] =	vst.idx.msk $0xffff, v61  }
0x61: {  	[tilespmem:v13+s15+$0x0] =	vst.idx.msk $0xffff, v29  }
0x62: {  	[tilespmem:v14+s15+$0x0] =	vst.idx.msk $0xffff, v46  }
0x63: {  	v29 =	vld.idx.msk [tilespmem:v21+s14+$0x0], $0xffff  }
0x64: {  	v30 =	vld.idx.msk [tilespmem:v22+s14+$0x0], $0xffff;
	_ =	sdelay $0x1  }
0x65: {  	v31 =	vld.idx.msk [tilespmem:v23+s14+$0x0], $0xffff;
	_ =	sdelay $0x1  }
0x66: {  	v32 =	vld.idx.msk [tilespmem:v24+s14+$0x0], $0xffff  }
0x67: {  	v45 =	vmul.f32 v29, v29;
	v46 =	vmul.f32 v30, v30;
	_ =	sdelay $0x1  }
0x68: {  	v47 =	vmul.f32 v31, v31;
	v33 =	vadd.f32 v46, v45;
	_ =	sdelay $0x1  }
0x69: {  	v48 =	vmul.f32 v32, v32;
	v33 =	vadd.f32 v47, v33;
	_ =	sdelay $0x1  }
0x6a: {  	v33 =	vadd.f32 v48, v33;
	_ =	sdelay $0x1  }
0x6b: {  	v34 =	vshrl.u32 v33, $0x1;
	v49 =	vmul.f32 $5.000000000e-01, v33  }
0x6c: {  	v34 =	vsub.s32 $0x5F3759DF, v34  }
0x6d: {  	v50 =	vmul.f32 v34, v49;
	_ =	sdelay $0x1  }
0x6e: {  	v36 =	vmul.f32 v34, v50;
	_ =	sdelay $0x1  }
0x6f: {  	v36 =	vsub.f32 $1.500000000e+00, v36;
	_ =	sdelay $0x1  }
0x70: {  	v34 =	vmul.f32 v34, v36;
	_ =	sdelay $0x1  }
0x71: {  	v36 =	vmul.f32 v34, v49;
	_ =	sdelay $0x1  }
0x72: {  	v36 =	vmul.f32 v36, v34;
	_ =	sdelay $0x1  }
0x73: {  	v36 =	vsub.f32 $1.500000000e+00, v36;
	_ =	sdelay $0x1  }
0x74: {  	v34 =	vmul.f32 v36, v34;
	_ =	sdelay $0x1  }
0x75: {  	v35 =	vmul.f32 v34, v49;
	_ =	sdelay $0x1  }
0x76: {  	v35 =	vmul.f32 v35, v34;
	_ =	sdelay $0x1  }
0x77: {  	v35 =	vsub.f32 $1.500000000e+00, v35;
	_ =	sdelay $0x1  }
0x78: {  	v34 =	vmul.f32 v35, v34;
	_ =	sdelay $0x1  }
0x79: {  	v34 =	vmul.f32 v34, v33;
	_ =	sdelay $0x1  }
0x7a: {  	vm10 =	vgt.f32 v34, $0.0e+00  }
0x7b: {  	v51 =	vnsel vm10, $0x3F800000, v34  }
0x7c: {  	(erf) = vrcp.f32 v51;
	_ =	sdelay $0x8  }
0x7d: {  	v35 =	vpop (erf)  }
0x7e: {  	v35 =	vmul.f32 v35, v33;
	_ =	sdelay $0x1  }
0x7f: {  	v34 =	vadd.f32 v35, v34;
	_ =	sdelay $0x1  }
0x80: {  	v34 =	vmul.f32 $5.000000000e-01, v34;
	_ =	sdelay $0x1  }
0x81: {  	v34 =	vadd.f32 $9.999999930e-09, v34  }
0x82: {  	vm11 =	vgt.f32 v33, $1.000000020e-35  }
0x83: {  	v33 =	vnsel vm11, $0x322BCC77, v34  }
0x84: {  	(erf) = vrcp.f32 v33;
	_ =	sdelay $0x8  }
0x85: {  	v33 =	vpop (erf)  }
0x86: {  	v31 =	vmul.f32 v33, v31  }
0x87: {  	v32 =	vmul.f32 v33, v32;
	v30 =	vmul.f32 v33, v30  }
0x88: {  	v29 =	vmul.f32 v33, v29;
	v52 =	vmul.f32 v31, v31  }
0x89: {  	v58 =	vld.idx.msk [tilespmem:v15+s14+$0x0], $0xffff;
	v53 =	vmul.f32 v32, v32;
	v55 =	vmul.f32 v30, v30  }
0x8a: {  	v61 =	vld.idx.msk [tilespmem:v16+s14+$0x0], $0xffff;
	v56 =	vmul.f32 v31, v30;
	v57 =	vmul.f32 v32, v29  }
0x8b: {  	v63 =	vld.idx.msk [tilespmem:v17+s14+$0x0], $0xffff;
	v59 =	vmul.f32 v32, v30;
	v60 =	vmul.f32 v31, v29  }
0x8c: {  	v31 =	vmul.f32 v32, v31;
	v54 =	vadd.f32 v53, v52;
	v62 =	vsub.f32 v56, v57  }
0x8d: {  	v29 =	vmul.f32 v30, v29;
	v47 =	vadd.f32 v60, v59;
	v35 =	vadd.f32 v53, v55  }
0x8e: {  	v37 =	vadd.f32 v57, v56;
	v33 =	vadd.f32 v54, v54  }
0x8f: {  	v51 =	vmul.f32 v61, v58;
	v49 =	vsub.f32 v31, v29;
	v40 =	vsub.f32 v59, v60  }
0x90: {  	v45 =	vld.idx.msk [tilespmem:v19+s14+$0x0], $0xffff;
	v34 =	vadd.f32 v52, v55;
	v52 =	vmul.f32 v63, v61;
	v33 =	vsub.f32 $1.000000000e+00, v33  }
0x91: {  	v46 =	vld.idx.msk [tilespmem:v25+s14+$0x0], $0xffff;
	v29 =	vadd.f32 v29, v31;
	v53 =	vmul.f32 v63, v58;
	v30 =	vadd.f32 v62, v62  }
0x92: {  	v48 =	vld.idx.msk [tilespmem:v18+s14+$0x0], $0xffff;
	v32 =	vadd.f32 v47, v47;
	v35 =	vadd.f32 v35, v35;
	v33 =	vmul.f32 v33, v58  }
0x93: {  	v50 =	vld.idx.msk [tilespmem:v20+s14+$0x0], $0xffff;
	v37 =	vadd.f32 v37, v37;
	v43 =	vadd.f32 v49, v49;
	v30 =	vmul.f32 v30, v61  }
0x94: {  	v40 =	vadd.f32 v40, v40;
	v35 =	vsub.f32 $1.000000000e+00, v35;
	v32 =	vmul.f32 v32, v63;
	[tilespmem:v15+s15+$0x0] =	vst.idx.msk $0xffff, v33  }
0x95: {  	s22 =	simm.s32 $0x0;
	v31 =	vadd.f32 v34, v34;
	v37 =	vmul.f32 v37, v58;
	[tilespmem:v16+s15+$0x0] =	vst.idx.msk $0xffff, v30  }
0x96: {  	v35 =	vmul.f32 v35, v61;
	v30 =	vadd.f32 v52, v51;
	[tilespmem:v17+s15+$0x0] =	vst.idx.msk $0xffff, v32;
	v32 =	vor.u32 s22, v0  }
0x97: {  	v29 =	vadd.f32 v29, v29;
	v54 =	vmul.f32 v43, v63;
	[tilespmem:v18+s15+$0x0] =	vst.idx.msk $0xffff, v37;
	v55 =	vcvt.s32.f32 v32  }
0x98: {  	v56 =	vmul.f32 v40, v58;
	v31 =	vsub.f32 $1.000000000e+00, v31;
	v30 =	vadd.f32 v30, v53;
	[tilespmem:v19+s15+$0x0] =	vst.idx.msk $0xffff, v35  }
0x99: {  	v29 =	vmul.f32 v29, v61;
	[tilespmem:v20+s15+$0x0] =	vst.idx.msk $0xffff, v54;
	v57 =	vmul.f32 $6.666666830e-03, v55  }
0x9a: {  	v31 =	vmul.f32 v31, v63;
	v30 =	vmul.f32 $8.000000000e+00, v30;
	[tilespmem:v21+s15+$0x0] =	vst.idx.msk $0xffff, v56  }
0x9b: {  	[tilespmem:v22+s15+$0x0] =	vst.idx.msk $0xffff, v29;
	v29 =	vtrunc.f32 v57  }
0x9c: {  	v30 =	vmul.f32 $6.666666830e-03, v30;
	[tilespmem:v23+s15+$0x0] =	vst.idx.msk $0xffff, v31;
	v29 =	vcvt.f32.s32 v29  }
0x9d: {  	[tilespmem:v24+s15+$0x0] =	vst.idx.msk $0xffff, v48  }
0x9e: {  	v30 =	vmul.f32 v46, v30;
	[tilespmem:v25+s15+$0x0] =	vst.idx.msk $0xffff, v45;
	vm12 =	vlt.s32 v29, $0x13  }
0x9f: {  	[tilespmem:v26+s15+$0x0] =	vst.idx.msk $0xffff, v50;
	v29 =	vnsel vm12, $0x13, v29  }
0xa0: {  	[tilespmem:v27+s15+$0x0] =	vst.idx.msk $0xffff, v30;
	v30 =	vshll.u32 v29, $0x4  }
0xa1: {  	s23 =	sand.u32 $0xFE0, s22;
	[tilespmem:v28+s15+$0x0] =	vst.idx.msk $0xffff, v46;
	v29 =	vor.u32 $0x3, v30  }
0xa2: {  	s22 =	simm.s32 $0x18BD0;
	v58 =	vor.u32 $0x9, v30;
	v31 =	vld [tilespmem:s23+$0x19780]  }
0xa3: {  	v59 =	vor.u32 $0x1, v30;
	v35 =	vld [tilespmem:s22+$0xFFFFFFF0]  }
0xa4: {  	v60 =	vor.u32 $0x6, v30;
	v37 =	vld [tilespmem:s22+$0xFFFFF430]  }
0xa5: {  	v61 =	vor.u32 $0x4, v30;
	v62 =	vld.idx.msk [tilespmem:v30+s15+$0x0], $0xffff  }
0xa6: {  	v63 =	vor.u32 $0x2, v30;
	v29 =	vld.idx.msk [tilespmem:v29+s15+$0x0], $0xffff  }
0xa7: {  	v48 =	vor.u32 $0x5, v30;
	v33 =	vld.idx.msk [tilespmem:v58+s15+$0x0], $0xffff  }
0xa8: {  	v49 =	vor.u32 $0x7, v30;
	v34 =	vld.idx.msk [tilespmem:v59+s15+$0x0], $0xffff  }
0xa9: {  	v51 =	vor.u32 $0x8, v30;
	v36 =	vld.idx.msk [tilespmem:v60+s15+$0x0], $0xffff  }
0xaa: {  	v50 =	vor.u32 $0xA, v30;
	v38 =	vld.idx.msk [tilespmem:v61+s15+$0x0], $0xffff  }
0xab: {  	v52 =	vor.u32 $0xB, v30;
	v40 =	vld.idx.msk [tilespmem:v63+s15+$0x0], $0xffff  }
0xac: {  	v41 =	vld.idx.msk [tilespmem:v48+s15+$0x0], $0xffff  }
0xad: {  	v42 =	vld.idx.msk [tilespmem:v49+s15+$0x0], $0xffff  }
0xae: {  	v44 =	vld.idx.msk [tilespmem:v51+s15+$0x0], $0xffff  }
0xaf: {  	v43 =	vld.idx.msk [tilespmem:v50+s15+$0x0], $0xffff;
	v39 =	vmul.f32 v62, v37;
	v34 =	vmul.f32 v34, v35  }
0xb0: {  	v45 =	vld.idx.msk [tilespmem:v52+s15+$0x0], $0xffff;
	v29 =	vmul.f32 v29, v37;
	v40 =	vmul.f32 v40, v31  }
0xb1: {  	v38 =	vmul.f32 v38, v35;
	v41 =	vmul.f32 v41, v31  }
0xb2: {  	v36 =	vmul.f32 v36, v37;
	v35 =	vmul.f32 v42, v35;
	v34 =	vadd.f32 v34, v39  }
0xb3: {  	v31 =	vmul.f32 v44, v31;
	v33 =	vadd.f32 v33, v40;
	v29 =	vadd.f32 v38, v29  }
0xb4: {  	v53 =	vadd.f32 v43, v41;
	v55 =	vadd.f32 v35, v36  }
0xb5: {  	v31 =	vadd.f32 v45, v31;
	v33 =	vadd.f32 v33, v34  }
0xb6: {  	s31 =	simm.s32 $0x10;
	v54 =	vmul.u32 $0x3, v32;
	v56 =	vadd.f32 v53, v29  }
0xb7: {  	v29 =	vor.u32 s31, v0;
	v31 =	vadd.f32 v31, v55;
	v57 =	vadd.f32 $5.000000000e-01, v33  }
0xb8: {  	v59 =	vadd.s32 $0x1, v54;
	v58 =	vcvt.s32.f32 v29;
	v60 =	vadd.f32 $5.000000000e-01, v56  }
0xb9: {  	v63 =	vadd.s32 $0x2, v54;
	v44 =	vadd.f32 $5.000000000e-01, v31;
	v61 =	vmul.f32 $3.200000000e+01, v57  }
0xba: {  	v30 =	vor.u32 $0xC, v30;
	v62 =	vmul.f32 $6.666666830e-03, v58;
	v40 =	vmul.f32 $3.200000000e+01, v60  }
0xbb: {  	v46 =	vmul.f32 $3.200000000e+01, v44;
	v34 =	vtrunc.f32 v61  }
0xbc: {  	[tilespmem:v54+s16+$0x0] =	vst.idx.msk $0xffff, v33;
	v45 =	vtrunc.f32 v40;
	v34 =	vcvt.f32.s32 v34  }
0xbd: {  	[tilespmem:v59+s16+$0x0] =	vst.idx.msk $0xffff, v56;
	v36 =	vtrunc.f32 v62;
	v33 =	vcvt.f32.s32 v45  }
0xbe: {  	[tilespmem:v63+s16+$0x0] =	vst.idx.msk $0xffff, v31;
	v36 =	vcvt.f32.s32 v36;
	v47 =	vtrunc.f32 v46;
	vm13 =	vgt.s32 v34, $0x0  }
0xbf: {  	v30 =	vld.idx.msk [tilespmem:v30+s15+$0x0], $0xffff;
	vm14 =	vgt.s32 v33, $0x0;
	v31 =	vnsel vm13, $0x0, v34;
	v34 =	vcvt.f32.s32 v47  }
0xc0: {  	vm1 =	vlt.s32 v36, $0x13;
	v33 =	vnsel vm14, $0x0, v33;
	v31 =	vmin.u32 v31, $0x1F  }
0xc1: {  	v33 =	vmin.u32 v33, $0x1F;
	v49 =	vmul.u32 $0xC00, v31;
	vm15 =	vgt.s32 v34, $0x0  }
0xc2: {  	v48 =	vnsel vm1, $0x13, v36;
	v33 =	vshll.u32 v33, $0x5;
	v34 =	vnsel vm15, $0x0, v34  }
0xc3: {  	s24 =	simm.s32 $0x1CA10;
	v31 =	vshll.u32 v48, $0x4;
	v34 =	vmin.u32 v34, $0x1F;
	v33 =	vor.u32 v49, v33  }
0xc4: {  	[tilespmem:s24+$0xFFFFFFF0] =	vst v30;
	v35 =	vor.u32 $0x9, v31;
	v30 =	vor.u32 v33, v34  }
0xc5: {  	v50 =	vor.u32 $0x8, v31;
	[tilespmem:v32+s12+$0x0] =	vst.idx.msk $0xffff, v30  }
0xc6: {  	v51 =	vor.u32 $0x2, v31;
	v32 =	vld [tilespmem:s22+$0xBC0]  }
0xc7: {  	v52 =	vor.u32 $0x6, v31;
	v34 =	vld [tilespmem:s22+$0x0]  }
0xc8: {  	v53 =	vor.u32 $0x7, v31;
	v37 =	vld.idx.msk [tilespmem:v31+s15+$0x0], $0xffff  }
0xc9: {  	v39 =	vld.idx.msk [tilespmem:v35+s15+$0x0], $0xffff  }
0xca: {  	v56 =	vor.u32 $0x3, v31;
	v54 =	vld.idx.msk [tilespmem:v50+s15+$0x0], $0xffff  }
0xcb: {  	v58 =	vor.u32 $0x1, v31;
	v38 =	vld.idx.msk [tilespmem:v51+s15+$0x0], $0xffff  }
0xcc: {  	v60 =	vor.u32 $0x4, v31;
	v55 =	vld.idx.msk [tilespmem:v52+s15+$0x0], $0xffff  }
0xcd: {  	v62 =	vor.u32 $0xB, v31;
	v57 =	vld.idx.msk [tilespmem:v53+s15+$0x0], $0xffff  }
0xce: {  	v59 =	vor.u32 $0x5, v31;
	v35 =	vld [tilespmem:s22+$0xFFFFF440]  }
0xcf: {  	v30 =	vor.u32 $0xA, v31;
	v61 =	vld.idx.msk [tilespmem:v56+s15+$0x0], $0xffff  }
0xd0: {  	v40 =	vld.idx.msk [tilespmem:v58+s15+$0x0], $0xffff  }
0xd1: {  	v41 =	vld.idx.msk [tilespmem:v60+s15+$0x0], $0xffff  }
0xd2: {  	v36 =	vld.idx.msk [tilespmem:v62+s15+$0x0], $0xffff;
	v63 =	vmul.f32 v38, v32  }
0xd3: {  	v38 =	vld.idx.msk [tilespmem:v59+s15+$0x0], $0xffff;
	v43 =	vmul.f32 v57, v34;
	v44 =	vmul.f32 v55, v35  }
0xd4: {  	s25 =	simm.s32 $0x30;
	s23 =	simm.s32 $0x1CA10;
	v30 =	vld.idx.msk [tilespmem:v30+s15+$0x0], $0xffff;
	v33 =	vmul.f32 v54, v32;
	v42 =	vmul.f32 v61, v35;
	v39 =	vadd.f32 v39, v63  }
.LBB2_2:
0xd5: {  	p0 =	sne.s32 s25, $0xBB0;
	v43 =	vadd.f32 v43, v44;
	s22 =	sadd.s32 $0x20, s22;
	s24 =	sadd.s32 $0x20, s24  }
0xd6: {  	v40 =	vmul.f32 v40, v34;
	s26 =	smov.u32 s25;
	s25 =	sadd.s32 $0x20, s25  }
0xd7: {  	v35 =	vmul.f32 v37, v35;
	v37 =	vmul.u32 $0x3, v29  }
0xd8: {  	v32 =	vmul.f32 v38, v32;
	v34 =	vmul.f32 v41, v34  }
0xd9: {  	v35 =	vadd.f32 v40, v35;
	v38 =	vadd.s32 $0x1, v37  }
0xda: {  	v30 =	vadd.f32 v30, v32;
	v32 =	vadd.s32 $0x2, v37;
	v34 =	vadd.f32 v34, v42  }
0xdb: {  	v31 =	vor.u32 $0xC, v31;
	v33 =	vadd.f32 v36, v33;
	v35 =	vadd.f32 v39, v35  }
0xdc: {  	v30 =	vadd.f32 v30, v34  }
0xdd: {  	v33 =	vadd.f32 v33, v43;
	v34 =	vadd.f32 $5.000000000e-01, v35;
	[tilespmem:v37+s16+$0x0] =	vst.idx.msk $0xffff, v35  }
0xde: {  	v35 =	vadd.f32 $5.000000000e-01, v30;
	[tilespmem:v38+s16+$0x0] =	vst.idx.msk $0xffff, v30  }
0xdf: {  	v36 =	vadd.f32 $5.000000000e-01, v33;
	v34 =	vmul.f32 $3.200000000e+01, v34;
	[tilespmem:v32+s16+$0x0] =	vst.idx.msk $0xffff, v33  }
0xe0: {  	s28 =	sadd.s32 $0xFFFFFFF0, s26;
	v32 =	vmul.f32 $3.200000000e+01, v35;
	v31 =	vld.idx.msk [tilespmem:v31+s15+$0x0], $0xffff  }
0xe1: {  	v30 =	vor.u32 s28, v0;
	v33 =	vtrunc.f32 v34;
	v34 =	vmul.f32 $3.200000000e+01, v36  }
0xe2: {  	v35 =	vcvt.s32.f32 v30;
	v32 =	vtrunc.f32 v32  }
0xe3: {  	v33 =	vcvt.f32.s32 v33;
	v32 =	vcvt.f32.s32 v32  }
0xe4: {  	v35 =	vmul.f32 $6.666666830e-03, v35;
	v34 =	vtrunc.f32 v34  }
0xe5: {  	vm0 =	vgt.s32 v33, $0x0;
	v34 =	vcvt.f32.s32 v34;
	vm1 =	vgt.s32 v32, $0x0  }
0xe6: {  	v35 =	vtrunc.f32 v35;
	v33 =	vnsel vm0, $0x0, v33;
	v32 =	vnsel vm1, $0x0, v32;
	[tilespmem:s23+$0x0] =	vst v31;
	s23 =	smov.u32 s24  }
0xe7: {  	v33 =	vmin.u32 v33, $0x1F;
	v31 =	vcvt.f32.s32 v35;
	v32 =	vmin.u32 v32, $0x1F  }
0xe8: {  	vm0 =	vgt.s32 v34, $0x0;
	v33 =	vmul.u32 $0xC00, v33;
	v32 =	vshll.u32 v32, $0x5  }
0xe9: {  	v34 =	vnsel vm0, $0x0, v34;
	vm1 =	vlt.s32 v31, $0x13  }
0xea: {  	v32 =	vor.u32 v33, v32;
	v33 =	vmin.u32 v34, $0x1F;
	v31 =	vnsel vm1, $0x13, v31  }
0xeb: {  	v32 =	vor.u32 v32, v33;
	v31 =	vshll.u32 v31, $0x4  }
0xec: {  	s28 =	sand.u32 $0xFE0, s28;
	v33 =	vor.u32 $0x1, v31;
	v34 =	vor.u32 $0x2, v31;
	v35 =	vor.u32 $0x3, v31;
	[tilespmem:v29+s12+$0x0] =	vst.idx.msk $0xffff, v32  }
0xed: {  	v36 =	vor.u32 $0x4, v31;
	v37 =	vor.u32 $0x5, v31;
	v32 =	vor.u32 $0x9, v31;
	v29 =	vld [tilespmem:s28+$0x19780]  }
0xee: {  	v39 =	vor.u32 $0xA, v31;
	v40 =	vor.u32 $0x6, v31;
	v41 =	vor.u32 $0x7, v31;
	v38 =	vld [tilespmem:s22+$0xFFFFFFF0]  }
0xef: {  	v43 =	vor.u32 $0x8, v31;
	v44 =	vor.u32 $0xB, v31;
	v42 =	vld [tilespmem:s22+$0xFFFFF430]  }
0xf0: {  	v45 =	vld.idx.msk [tilespmem:v31+s15+$0x0], $0xffff  }
0xf1: {  	v35 =	vld.idx.msk [tilespmem:v35+s15+$0x0], $0xffff  }
0xf2: {  	v32 =	vld.idx.msk [tilespmem:v32+s15+$0x0], $0xffff  }
0xf3: {  	v33 =	vld.idx.msk [tilespmem:v33+s15+$0x0], $0xffff  }
0xf4: {  	v40 =	vld.idx.msk [tilespmem:v40+s15+$0x0], $0xffff  }
0xf5: {  	v43 =	vld.idx.msk [tilespmem:v43+s15+$0x0], $0xffff  }
0xf6: {  	v41 =	vld.idx.msk [tilespmem:v41+s15+$0x0], $0xffff  }
0xf7: {  	v45 =	vmul.f32 v45, v42;
	v36 =	vld.idx.msk [tilespmem:v36+s15+$0x0], $0xffff  }
0xf8: {  	v34 =	vld.idx.msk [tilespmem:v34+s15+$0x0], $0xffff  }
0xf9: {  	v35 =	vmul.f32 v35, v42;
	v33 =	vmul.f32 v33, v38;
	v37 =	vld.idx.msk [tilespmem:v37+s15+$0x0], $0xffff  }
0xfa: {  	v40 =	vmul.f32 v40, v42  }
0xfb: {  	v33 =	vadd.f32 v33, v45;
	v42 =	vmul.f32 v43, v29;
	v39 =	vld.idx.msk [tilespmem:v39+s15+$0x0], $0xffff  }
0xfc: {  	v41 =	vmul.f32 v41, v38;
	v43 =	vld.idx.msk [tilespmem:v44+s15+$0x0], $0xffff  }
0xfd: {  	v44 =	vmul.u32 $0x3, v30  }
0xfe: {  	v36 =	vmul.f32 v36, v38;
	v34 =	vmul.f32 v34, v29;
	v38 =	vadd.f32 v41, v40  }
0xff: {  	v29 =	vmul.f32 v37, v29  }
0x100: {  	v32 =	vadd.f32 v32, v34;
	v34 =	vadd.f32 v36, v35;
	v35 =	vadd.s32 $0x1, v44  }
0x101: {  	v36 =	vadd.s32 $0x2, v44;
	v29 =	vadd.f32 v39, v29  }
0x102: {  	v32 =	vadd.f32 v32, v33;
	v33 =	vadd.f32 v43, v42  }
0x103: {  	v34 =	vadd.f32 v29, v34;
	v29 =	vor.u32 s26, v0  }
0x104: {  	v33 =	vadd.f32 v33, v38;
	v37 =	vadd.f32 $5.000000000e-01, v32;
	[tilespmem:v44+s16+$0x0] =	vst.idx.msk $0xffff, v32;
	v32 =	vcvt.s32.f32 v29  }
0x105: {  	v31 =	vor.u32 $0xC, v31;
	v38 =	vadd.f32 $5.000000000e-01, v34;
	[tilespmem:v35+s16+$0x0] =	vst.idx.msk $0xffff, v34  }
0x106: {  	v34 =	vmul.f32 $3.200000000e+01, v37;
	v35 =	vadd.f32 $5.000000000e-01, v33;
	[tilespmem:v36+s16+$0x0] =	vst.idx.msk $0xffff, v33;
	v32 =	vmul.f32 $6.666666830e-03, v32  }
0x107: {  	v33 =	vmul.f32 $3.200000000e+01, v38  }
0x108: {  	v34 =	vtrunc.f32 v34;
	v32 =	vtrunc.f32 v32  }
0x109: {  	v34 =	vcvt.f32.s32 v34;
	v32 =	vcvt.f32.s32 v32  }
0x10a: {  	v35 =	vmul.f32 $3.200000000e+01, v35;
	v33 =	vtrunc.f32 v33  }
0x10b: {  	v33 =	vcvt.f32.s32 v33;
	vm0 =	vgt.s32 v34, $0x0;
	v36 =	vld.idx.msk [tilespmem:v31+s15+$0x0], $0xffff;
	vm1 =	vlt.s32 v32, $0x13  }
0x10c: {  	v31 =	vnsel vm0, $0x0, v34;
	v34 =	vtrunc.f32 v35;
	v32 =	vnsel vm1, $0x13, v32  }
0x10d: {  	vm0 =	vgt.s32 v33, $0x0;
	v31 =	vmin.u32 v31, $0x1F;
	v34 =	vcvt.f32.s32 v34  }
0x10e: {  	v33 =	vnsel vm0, $0x0, v33;
	v35 =	vmul.u32 $0xC00, v31;
	v31 =	vshll.u32 v32, $0x4  }
0x10f: {  	vm0 =	vgt.s32 v34, $0x0;
	v38 =	vor.u32 $0x1, v31;
	v32 =	vor.u32 $0x8, v31  }
0x110: {  	v37 =	vor.u32 $0x2, v31;
	v39 =	vor.u32 $0x9, v31;
	v34 =	vnsel vm0, $0x0, v34  }
0x111: {  	v33 =	vmin.u32 v33, $0x1F;
	v34 =	vmin.u32 v34, $0x1F;
	[tilespmem:s24+$0xFFFFFFF0] =	vst v36;
	v36 =	vor.u32 $0x5, v31  }
0x112: {  	v33 =	vshll.u32 v33, $0x5  }
0x113: {  	v33 =	vor.u32 v35, v33;
	v35 =	vor.u32 $0x7, v31  }
0x114: {  	v33 =	vor.u32 v33, v34;
	v34 =	vor.u32 $0x6, v31  }
0x115: {  	[tilespmem:v30+s12+$0x0] =	vst.idx.msk $0xffff, v33;
	v30 =	vor.u32 $0xA, v31  }
0x116: {  	v39 =	vld.idx.msk [tilespmem:v39+s15+$0x0], $0xffff  }
0x117: {  	v33 =	vld.idx.msk [tilespmem:v32+s15+$0x0], $0xffff  }
0x118: {  	v41 =	vld.idx.msk [tilespmem:v37+s15+$0x0], $0xffff  }
0x119: {  	v37 =	vor.u32 $0x3, v31;
	v42 =	vld.idx.msk [tilespmem:v34+s15+$0x0], $0xffff  }
0x11a: {  	v30 =	vld.idx.msk [tilespmem:v30+s15+$0x0], $0xffff  }
0x11b: {  	v43 =	vld.idx.msk [tilespmem:v35+s15+$0x0], $0xffff  }
0x11c: {  	v32 =	vld [tilespmem:s22+$0xBC0]  }
0x11d: {  	v35 =	vld [tilespmem:s22+$0xFFFFF440]  }
0x11e: {  	v44 =	vor.u32 $0x4, v31;
	v34 =	vld [tilespmem:s22+$0x0]  }
0x11f: {  	v46 =	vor.u32 $0xB, v31;
	v45 =	vld.idx.msk [tilespmem:v37+s15+$0x0], $0xffff  }
0x120: {  	v37 =	vld.idx.msk [tilespmem:v31+s15+$0x0], $0xffff  }
.Ltmp0:
0x121: {  	v40 =	vld.idx.msk [tilespmem:v38+s15+$0x0], $0xffff;
	v33 =	vmul.f32 v33, v32;
	(pc) =	sbr.rel @p0 .LBB2_2-.Ltmp0, $4  }
0x122: {  	v47 =	vmul.f32 v41, v32;
	v38 =	vld.idx.msk [tilespmem:v36+s15+$0x0], $0xffff  }
0x123: {  	v41 =	vld.idx.msk [tilespmem:v44+s15+$0x0], $0xffff;
	v43 =	vmul.f32 v43, v34  }
0x124: {  	v44 =	vmul.f32 v42, v35;
	v36 =	vld.idx.msk [tilespmem:v46+s15+$0x0], $0xffff  }
0x125: {  	v39 =	vadd.f32 v39, v47;
	v42 =	vmul.f32 v45, v35  }
0x126: {  	_ = 	snop  }
0x127: {  	v40 =	vmul.f32 v40, v34;
	v35 =	vmul.f32 v37, v35  }
0x128: {  	v32 =	vmul.f32 v38, v32;
	v58 =	vmul.f32 v41, v34  }
0x129: {  	v59 =	vadd.f32 v43, v44;
	v35 =	vadd.f32 v40, v35  }
0x12a: {  	v30 =	vadd.f32 v30, v32;
	v34 =	vadd.f32 v58, v42  }
0x12b: {  	v33 =	vadd.f32 v36, v33;
	v60 =	vadd.f32 v39, v35  }
0x12c: {  	v61 =	vmul.u32 $0x3, v29;
	v30 =	vadd.f32 v30, v34  }
0x12d: {  	v33 =	vadd.f32 v33, v59;
	v62 =	vadd.f32 $5.000000000e-01, v60  }
0x12e: {  	v63 =	vadd.s32 $0x1, v61;
	v42 =	vadd.f32 $5.000000000e-01, v30  }
0x12f: {  	v43 =	vadd.s32 $0x2, v61;
	v44 =	vadd.f32 $5.000000000e-01, v33;
	v34 =	vmul.f32 $3.200000000e+01, v62  }
0x130: {  	v31 =	vor.u32 $0xC, v31;
	v37 =	vmul.f32 $3.200000000e+01, v42  }
0x131: {  	v39 =	vmul.f32 $3.200000000e+01, v44;
	v34 =	vtrunc.f32 v34  }
0x132: {  	[tilespmem:v61+s16+$0x0] =	vst.idx.msk $0xffff, v60;
	v34 =	vcvt.f32.s32 v34;
	v45 =	vtrunc.f32 v37  }
0x133: {  	[tilespmem:v63+s16+$0x0] =	vst.idx.msk $0xffff, v30;
	v30 =	vcvt.f32.s32 v45  }
0x134: {  	[tilespmem:v43+s16+$0x0] =	vst.idx.msk $0xffff, v33;
	v46 =	vtrunc.f32 v39;
	vm0 =	vgt.s32 v34, $0x0  }
0x135: {  	v31 =	vld.idx.msk [tilespmem:v31+s15+$0x0], $0xffff;
	v32 =	vcvt.f32.s32 v46;
	v47 =	vnsel vm0, $0x0, v34;
	vm1 =	vgt.s32 v30, $0x0  }
0x136: {  	v33 =	vmin.u32 v47, $0x1F;
	v30 =	vnsel vm1, $0x0, v30  }
0x137: {  	vm12 =	vgt.s32 v32, $0x0;
	v33 =	vmul.u32 $0xC00, v33;
	v30 =	vmin.u32 v30, $0x1F  }
0x138: {  	v32 =	vnsel vm12, $0x0, v32;
	v30 =	vshll.u32 v30, $0x5  }
0x139: {  	v32 =	vmin.u32 v32, $0x1F;
	v30 =	vor.u32 v33, v30  }
0x13a: {  	s22 =	simm.s32 $0x0;
	[tilespmem:s23+$0x0] =	vst v31;
	v30 =	vor.u32 v30, v32  }
0x13b: {  	[tilespmem:v29+s12+$0x0] =	vst.idx.msk $0xffff, v30;
	v29 =	vor.u32 s22, v0  }
0x13c: {  	v30 =	vcvt.s32.f32 v29  }
0x13d: {  	_ =	swait.ge [sflag:s17], $0x18000  }
0x13e: {  	[sflag:s17] =	ssyncset.done $0x0;
	v30 =	vmul.f32 $6.666666830e-03, v30  }
0x13f: {  	[sflag:s17] =	ssyncadd.s32 $0xFFFE8000  }
0x140: {  	[hbm4b:s6+s10] =	stream.strided.scatter [tilespmem:s16], [sflag:$0x2], $0x2380, s11, s10, $0x38;
	v30 =	vtrunc.f32 v30;
	[tilespmem:$0x1F980] =	vst v63  }
0x141: {  	s22 =	simm.s32 $0x18010;
	v30 =	vcvt.f32.s32 v30  }
0x142: {  	v29 =	vmul.u32 $0x3, v29;
	[hbm4b:s7+s10] =	stream.strided.scatter [tilespmem:s18], [sflag:$0x2], $0xC00, s11, s10, $0x38;
	[tilespmem:$0x1F980] =	vst v63  }
0x143: {  	v31 =	vld [tilespmem:s22+$0xFFFFFFF0];
	vm13 =	vlt.s32 v30, $0x13  }
0x144: {  	v48 =	vadd.s32 $0x1, v29;
	v30 =	vnsel vm13, $0x13, v30  }
0x145: {  	v50 =	vadd.s32 $0x2, v29;
	v30 =	vshll.u32 v30, $0x4  }
0x146: {  	v30 =	vor.u32 $0xD, v30;
	_ =	sdelay $0x1  }
0x147: {  	v53 =	vld.idx.msk [tilespmem:v29+s16+$0x0], $0xffff;
	v49 =	vadd.s32 $0x400, v31  }
0x148: {  	v51 =	vld.idx.msk [tilespmem:v48+s16+$0x0], $0xffff;
	v52 =	vadd.s32 $0x800, v31  }
0x149: {  	v56 =	vld.idx.msk [tilespmem:v50+s16+$0x0], $0xffff  }
0x14a: {  	s30 =	simm.s32 $0x10;
	v30 =	vld.idx.msk [tilespmem:v30+s15+$0x0], $0xffff  }
0x14b: {  	v54 =	vor.u32 s30, v0;
	v55 =	vld.idx.msk [tilespmem:v31+s2+$0x0], $0xffff  }
0x14c: {  	v31 =	vcvt.s32.f32 v54;
	v33 =	vld.idx.msk [tilespmem:v49+s2+$0x0], $0xffff  }
0x14d: {  	v36 =	vld.idx.msk [tilespmem:v52+s2+$0x0], $0xffff  }
0x14e: {  	v31 =	vmul.f32 $6.666666830e-03, v31  }
0x14f: {  	vm14 =	vgt.f32 v30, $5.000000000e-01  }
0x150: {  	s31 =	simm.s32 $0x20;
	v57 =	vtrunc.f32 v31;
	v37 =	vsel vm14, v55, v53  }
0x151: {  	v31 =	vor.u32 s31, v0;
	v30 =	vcvt.f32.s32 v57;
	v33 =	vsel vm14, v33, v51;
	[tilespmem:v29+s19+$0x0] =	vst.idx.msk $0xffff, v37  }
0x152: {  	v58 =	vcvt.s32.f32 v31;
	v60 =	vsel vm14, v36, v56;
	v29 =	vmul.u32 $0x3, v54;
	[tilespmem:v48+s19+$0x0] =	vst.idx.msk $0xffff, v33  }
0x153: {  	vm15 =	vlt.s32 v30, $0x13;
	[tilespmem:v50+s19+$0x0] =	vst.idx.msk $0xffff, v60  }
0x154: {  	v59 =	vmul.f32 $6.666666830e-03, v58;
	v61 =	vnsel vm15, $0x13, v30;
	v30 =	vadd.s32 $0x2, v29;
	v33 =	vld [tilespmem:s22+$0x0]  }
0x155: {  	v62 =	vshll.u32 v61, $0x4  }
0x156: {  	v63 =	vtrunc.f32 v59;
	v35 =	vor.u32 $0xD, v62  }
0x157: {  	s24 =	simm.s32 $0x50;
	s23 =	simm.s32 $0x30;
	v34 =	vcvt.f32.s32 v63;
	v32 =	vadd.s32 $0x1, v29  }
.LBB2_4:
0x158: {  	p0 =	sne.s32 s24, $0xBB0  }
0x159: {  	v36 =	vadd.s32 $0x400, v33;
	v37 =	vadd.s32 $0x800, v33;
	v38 =	vld.idx.msk [tilespmem:v30+s16+$0x0], $0xffff;
	s22 =	sadd.s32 $0x20, s22;
	s25 =	smov.u32 s24;
	s24 =	sadd.s32 $0x20, s24  }
0x15a: {  	vm0 =	vlt.s32 v34, $0x13;
	v39 =	vld.idx.msk [tilespmem:v29+s16+$0x0], $0xffff  }
0x15b: {  	v31 =	vmul.u32 $0x3, v31;
	v34 =	vnsel vm0, $0x13, v34;
	v35 =	vld.idx.msk [tilespmem:v35+s15+$0x0], $0xffff  }
0x15c: {  	v34 =	vshll.u32 v34, $0x4;
	v33 =	vld.idx.msk [tilespmem:v33+s2+$0x0], $0xffff  }
0x15d: {  	v34 =	vor.u32 $0xD, v34;
	v40 =	vld.idx.msk [tilespmem:v32+s16+$0x0], $0xffff  }
0x15e: {  	v36 =	vld.idx.msk [tilespmem:v36+s2+$0x0], $0xffff  }
0x15f: {  	v41 =	vadd.s32 $0x1, v31;
	v37 =	vld.idx.msk [tilespmem:v37+s2+$0x0], $0xffff;
	_ =	sdelay $0x1  }
0x160: {  	vm0 =	vgt.f32 v35, $5.000000000e-01  }
0x161: {  	v33 =	vsel vm0, v33, v39  }
0x162: {  	[tilespmem:v29+s19+$0x0] =	vst.idx.msk $0xffff, v33  }
0x163: {  	v29 =	vsel vm0, v36, v40  }
0x164: {  	[tilespmem:v32+s19+$0x0] =	vst.idx.msk $0xffff, v29;
	v29 =	vsel vm0, v37, v38  }
0x165: {  	[tilespmem:v30+s19+$0x0] =	vst.idx.msk $0xffff, v29  }
0x166: {  	v30 =	vadd.s32 $0x2, v31;
	v29 =	vld [tilespmem:s22+$0xFFFFFFF0];
	_ =	sdelay $0x4  }
0x167: {  	v32 =	vadd.s32 $0x400, v29;
	v33 =	vadd.s32 $0x800, v29;
	v35 =	vld.idx.msk [tilespmem:v30+s16+$0x0], $0xffff  }
0x168: {  	v36 =	vld.idx.msk [tilespmem:v41+s16+$0x0], $0xffff  }
0x169: {  	v37 =	vld.idx.msk [tilespmem:v31+s16+$0x0], $0xffff  }
0x16a: {  	v34 =	vld.idx.msk [tilespmem:v34+s15+$0x0], $0xffff  }
0x16b: {  	v29 =	vld.idx.msk [tilespmem:v29+s2+$0x0], $0xffff  }
0x16c: {  	v38 =	vor.u32 s23, v0;
	s23 =	smov.u32 s25;
	v32 =	vld.idx.msk [tilespmem:v32+s2+$0x0], $0xffff  }
0x16d: {  	v39 =	vcvt.s32.f32 v38;
	v33 =	vld.idx.msk [tilespmem:v33+s2+$0x0], $0xffff;
	_ =	sdelay $0x1  }
0x16e: {  	v39 =	vmul.f32 $6.666666830e-03, v39  }
0x16f: {  	vm0 =	vgt.f32 v34, $5.000000000e-01  }
0x170: {  	v34 =	vtrunc.f32 v39;
	v29 =	vsel vm0, v29, v37  }
0x171: {  	s25 =	sadd.s32 $0xFFFFFFF0, s23;
	[tilespmem:v31+s19+$0x0] =	vst.idx.msk $0xffff, v29;
	v29 =	vsel vm0, v32, v36;
	v32 =	vcvt.f32.s32 v34  }
0x172: {  	v31 =	vor.u32 s25, v0;
	v33 =	vsel vm0, v33, v35;
	[tilespmem:v41+s19+$0x0] =	vst.idx.msk $0xffff, v29;
	v29 =	vmul.u32 $0x3, v38  }
0x173: {  	v34 =	vcvt.s32.f32 v31;
	[tilespmem:v30+s19+$0x0] =	vst.idx.msk $0xffff, v33;
	vm0 =	vlt.s32 v32, $0x13  }
.Ltmp1:
0x174: {  	v32 =	vnsel vm0, $0x13, v32;
	v33 =	vld [tilespmem:s22+$0x0];
	v30 =	vadd.s32 $0x2, v29;
	(pc) =	sbr.rel @p0 .LBB2_4-.Ltmp1, $4  }
0x175: {  	v34 =	vmul.f32 $6.666666830e-03, v34;
	v32 =	vshll.u32 v32, $0x4  }
0x176: {  	v35 =	vor.u32 $0xD, v32  }
0x177: {  	v32 =	vtrunc.f32 v34  }
0x178: {  	v34 =	vcvt.f32.s32 v32;
	v32 =	vadd.s32 $0x1, v29  }
0x179: {  	_ =	sdelay $0x3  }
0x17a: {  	v36 =	vadd.s32 $0x400, v33;
	v37 =	vld.idx.msk [tilespmem:v30+s16+$0x0], $0xffff  }
0x17b: {  	v38 =	vadd.s32 $0x800, v33;
	v39 =	vld.idx.msk [tilespmem:v29+s16+$0x0], $0xffff  }
0x17c: {  	v35 =	vld.idx.msk [tilespmem:v35+s15+$0x0], $0xffff  }
0x17d: {  	v46 =	vld.idx.msk [tilespmem:v33+s2+$0x0], $0xffff  }
0x17e: {  	v40 =	vld.idx.msk [tilespmem:v32+s16+$0x0], $0xffff  }
0x17f: {  	v36 =	vld.idx.msk [tilespmem:v36+s2+$0x0], $0xffff  }
0x180: {  	v38 =	vld.idx.msk [tilespmem:v38+s2+$0x0], $0xffff;
	_ =	sdelay $0x1  }
0x181: {  	vm0 =	vgt.f32 v35, $5.000000000e-01  }
0x182: {  	v33 =	vsel vm0, v46, v39  }
0x183: {  	[tilespmem:v29+s19+$0x0] =	vst.idx.msk $0xffff, v33;
	v29 =	vsel vm0, v36, v40  }
0x184: {  	v31 =	vmul.u32 $0x3, v31;
	[tilespmem:v32+s19+$0x0] =	vst.idx.msk $0xffff, v29;
	v29 =	vsel vm0, v38, v37  }
0x185: {  	s22 =	sadd.s32 $0x20, s22;
	[tilespmem:v30+s19+$0x0] =	vst.idx.msk $0xffff, v29  }
0x186: {  	vm12 =	vlt.s32 v34, $0x13;
	v48 =	vadd.s32 $0x1, v31;
	v29 =	vld [tilespmem:s22+$0xFFFFFFF0]  }
0x187: {  	v47 =	vnsel vm12, $0x13, v34  }
0x188: {  	v32 =	vshll.u32 v47, $0x4;
	v30 =	vadd.s32 $0x2, v31  }
0x189: {  	v32 =	vor.u32 $0xD, v32;
	_ =	sdelay $0x1  }
0x18a: {  	v52 =	vld.idx.msk [tilespmem:v48+s16+$0x0], $0xffff;
	v49 =	vadd.s32 $0x400, v29  }
0x18b: {  	v53 =	vld.idx.msk [tilespmem:v31+s16+$0x0], $0xffff;
	v51 =	vadd.s32 $0x800, v29  }
0x18c: {  	v50 =	vld.idx.msk [tilespmem:v30+s16+$0x0], $0xffff  }
0x18d: {  	v32 =	vld.idx.msk [tilespmem:v32+s15+$0x0], $0xffff  }
0x18e: {  	v29 =	vld.idx.msk [tilespmem:v29+s2+$0x0], $0xffff  }
0x18f: {  	v54 =	vor.u32 s23, v0;
	v34 =	vld.idx.msk [tilespmem:v49+s2+$0x0], $0xffff  }
0x190: {  	v55 =	vcvt.s32.f32 v54;
	v36 =	vld.idx.msk [tilespmem:v51+s2+$0x0], $0xffff;
	_ =	sdelay $0x1  }
0x191: {  	v40 =	vmul.f32 $6.666666830e-03, v55;
	vm13 =	vgt.f32 v32, $5.000000000e-01  }
0x192: {  	v29 =	vsel vm13, v29, v53  }
0x193: {  	v56 =	vtrunc.f32 v40;
	[tilespmem:v31+s19+$0x0] =	vst.idx.msk $0xffff, v29;
	v29 =	vsel vm13, v34, v52  }
0x194: {  	v31 =	vcvt.f32.s32 v56;
	[tilespmem:v48+s19+$0x0] =	vst.idx.msk $0xffff, v29;
	v29 =	vsel vm13, v36, v50  }
0x195: {  	v57 =	vmul.u32 $0x3, v54;
	[tilespmem:v30+s19+$0x0] =	vst.idx.msk $0xffff, v29  }
0x196: {  	vm14 =	vlt.s32 v31, $0x13;
	v30 =	vld [tilespmem:s22+$0x0]  }
0x197: {  	v58 =	vadd.s32 $0x1, v57;
	v29 =	vnsel vm14, $0x13, v31  }
0x198: {  	v31 =	vadd.s32 $0x2, v57;
	v29 =	vshll.u32 v29, $0x4  }
0x199: {  	v29 =	vor.u32 $0xD, v29;
	_ =	sdelay $0x1  }
0x19a: {  	v62 =	vld.idx.msk [tilespmem:v57+s16+$0x0], $0xffff;
	v59 =	vadd.s32 $0x400, v30  }
0x19b: {  	v63 =	vld.idx.msk [tilespmem:v58+s16+$0x0], $0xffff;
	v61 =	vadd.s32 $0x800, v30  }
0x19c: {  	v60 =	vld.idx.msk [tilespmem:v31+s16+$0x0], $0xffff  }
0x19d: {  	v29 =	vld.idx.msk [tilespmem:v29+s15+$0x0], $0xffff  }
0x19e: {  	v30 =	vld.idx.msk [tilespmem:v30+s2+$0x0], $0xffff  }
0x19f: {  	v34 =	vld.idx.msk [tilespmem:v59+s2+$0x0], $0xffff  }
0x1a0: {  	v36 =	vld.idx.msk [tilespmem:v61+s2+$0x0], $0xffff;
	_ =	sdelay $0x1  }
0x1a1: {  	vm15 =	vgt.f32 v29, $5.000000000e-01  }
0x1a2: {  	v29 =	vsel vm15, v30, v62  }
0x1a3: {  	[tilespmem:v57+s19+$0x0] =	vst.idx.msk $0xffff, v29;
	v29 =	vsel vm15, v34, v63  }
0x1a4: {  	[tilespmem:v58+s19+$0x0] =	vst.idx.msk $0xffff, v29;
	v29 =	vsel vm15, v36, v60  }
0x1a5: {  	[tilespmem:v31+s19+$0x0] =	vst.idx.msk $0xffff, v29  }
0x1a6: {  	[hbm4b:s8+s10] =	stream.strided.scatter [tilespmem:s19], [sflag:$0x3], $0x2380, s11, s10, $0x38;
	[tilespmem:$0x1F980] =	vst v63  }
0x1a7: {  	_ =	swait.ge [sflag:s13], $0x2380  }
0x1a8: {  	[sflag:s13] =	ssyncset.done $0x0  }
0x1a9: {  	s21 =	sadd.s32 $0x1, s21;
	[sflag:s13] =	ssyncadd.s32 $0xFFFFDC80  }
0x1aa: {  	p0 =	sne.s32 s21, s9;
	_ =	swait.ge [sflag:s20], $0x2380  }
.Ltmp2:
0x1ab: {  	[sflag:s20] =	ssyncset.done $0x0;
	(pc) =	sbr.rel @p0 .LBB2_1-.Ltmp2, $4  }
0x1ac: {  	[sflag:s20] =	ssyncadd.s32 $0xFFFFDC80  }
0x1ad: {  	_ =	swait.ge [sflag:s20], $0xC00  }
0x1ae: {  	[sflag:s20] =	ssyncset.done $0x0  }
0x1af: {  	[sflag:s20] =	ssyncadd.s32 $0xFFFFF400  }
0x1b0: {  	_ =	sfence.sel $0x180000  }
0x1b1: {  	[bflag:$0x0] =	sbarrier.arrive $0xFFFF  }
0x1b2: {  	p0 =	sne.s32 s0, $0x0;
	_ =	strace $0x90000047  }
0x1b3: {  	s0 =	sadd.s32 @!p0 $0x100000, s1;
	[bflag:$0x2] =	sbarrier.arrive $0xFFFF  }
0x1b4: {  	[sflag:s0] =	ssyncadd.tile.s32 @!p0 $0x1;
	_ =	shalt  }
.Lfunc_end2:
_tile_overlayer_lowered:
.L_overlay_start_2:
0x1b5: {  	(tag) =	ssettag $0x2  }
0x1b6: {  	s0 =	rddreg [dreg:$0x0];
	s2 =	stileid.u32  }
0x1b7: {  	s1 =	rddreg [dreg:$0x1];
	p0 =	sne.s32 s2, $0x0  }
0x1b8: {  	s3 =	rddreg [dreg:$0x2];
	[bflag:$0x3] =	sbarrier.arrive $0xFFFF;
	s2 =	simm.s32 @!p0 $0x1C03  }
0x1b9: {  	[timem:s3], [sflag:s2] =	dma.local @!p0 [hbm:s0], s1  }
0x1ba: {  	s0 =	simm.s32 @!p0 $0x3  }
0x1bb: {  	_ =	swait.ge @!p0 [sflag:s0], s1  }
0x1bc: {  	s1 =	ssub.s32 @!p0 $0x0, s1;
	[sflag:s0] =	ssyncset.done @!p0 $0x0  }
0x1bd: {  	[sflag:s0] =	ssyncadd.s32 @!p0 s1  }
0x1be: {  	[bflag:$0x3] =	sbarrier.arrive $0xFFFF  }
0x1bf: {  	_ =	shalt  }

</sc_bundles>
